<compile_context>
chip_gen: v7x
topology: tpu7x:2x2x1
jax: 0.10.2.dev20260603
libtpu: 0.0.44.dev20260713+nightly
codegen_flags: <defaults>
</compile_context>

<pallas_src>
import functools

import jax
import jax.numpy as jnp
from jax import lax
from jax.experimental import pallas as pl
from jax.experimental.pallas import tpu as pltpu
from jax.experimental.pallas import tpu_sc as plsc

EMB_DIM = 64
NC, NS = 2, 16
NW = NC * NS
CHUNK = 128
NBUF = 8
K = 4


@functools.lru_cache(maxsize=None)
def _build_gather(n_chunks: int):
    b_per_w = n_chunks * CHUNK
    n_rows = NW * b_per_w
    mesh = plsc.VectorSubcoreMesh(core_axis_name="c", subcore_axis_name="s")

    def body(idx_hbm, table_hbm, out_hbm, idx_v, *scratch):
        rows = scratch[:NBUF]
        gsems = scratch[NBUF:2 * NBUF]
        wsems = scratch[2 * NBUF:3 * NBUF]
        wid = lax.axis_index("s") * NC + lax.axis_index("c")
        base = wid * b_per_w

        pltpu.sync_copy(idx_hbm.at[wid], idx_v)

        def wait_gather(c, b):
            pltpu.make_async_copy(
                table_hbm.at[idx_v.at[c]], rows[b], gsems[b]).wait()

        def start_write(c, b):
            pltpu.async_copy(
                rows[b], out_hbm.at[pl.ds(base + c * CHUNK, CHUNK)],
                wsems[b])

        def wait_write(c, b):
            pltpu.make_async_copy(
                rows[b], out_hbm.at[pl.ds(base + c * CHUNK, CHUNK)],
                wsems[b]).wait()

        def start_gather(c, b):
            pltpu.async_copy(table_hbm.at[idx_v.at[c]], rows[b], gsems[b])

        for b in range(K):
            start_gather(b, b)

        for c in range(K):
            wait_gather(c, c)
            start_write(c, c)
            start_gather(c + K, c + K)

        @pl.loop(K, n_chunks - K, step=NBUF)
        def _(c0):
            for j in range(NBUF):
                c = c0 + j
                b = (K + j) % NBUF
                pb = (2 * K + j) % NBUF
                wait_gather(c, b)
                start_write(c, b)
                wait_write(c - K, pb)
                start_gather(c + K, pb)

        for cs in range(n_chunks - K, n_chunks):
            b = cs % NBUF
            wait_gather(cs, b)
            start_write(cs, b)

        for cs in range(n_chunks - NBUF, n_chunks):
            wait_write(cs, cs % NBUF)

    return pl.kernel(
        body,
        mesh=mesh,
        compiler_params=pltpu.CompilerParams(use_tc_tiling_on_sc=False),
        out_type=jax.ShapeDtypeStruct((n_rows, EMB_DIM), jnp.float32),
        scratch_types=(
            [pltpu.VMEM((n_chunks, CHUNK), jnp.int32)]
            + [pltpu.VMEM((CHUNK, EMB_DIM), jnp.float32)] * NBUF
            + [pltpu.SemaphoreType.DMA] * (2 * NBUF)
        ),
    )


def kernel(token_ids, weight):
    orig_shape = token_ids.shape
    flat = token_ids.reshape(-1).astype(jnp.int32)
    n = flat.shape[0]
    tile = NW * CHUNK * NBUF
    n_pad = -(-n // tile) * tile
    if n_pad != n:
        flat = jnp.pad(flat, (0, n_pad - n))
    n_chunks = n_pad // (NW * CHUNK)
    idx3 = flat.reshape(NW, n_chunks, CHUNK)
    out = _build_gather(n_chunks)(idx3, weight)
    if n_pad != n:
        out = out[:n]
    return out.reshape(*orig_shape, EMB_DIM)

# --- scband reference (transcript-rebuilt; emitter-appended) ---
"""Pipeline reference for scband-embedding-51754355917407 (READ-ONLY COPY).

The authoritative reference and input builder live on the scoring server;
editing this copy changes nothing except your own understanding.
"""

import jax, jax.numpy as jnp
import numpy as np

NUM_EMBEDDINGS = 1000000
EMBEDDING_DIM = 64

def setup_inputs(seed: int = 0) -> dict:
    key = jax.random.key(seed)
    k1, k2 = jax.random.split(key)
    token_ids = jax.random.randint(k1, (4096, 200), 0, NUM_EMBEDDINGS, dtype=jnp.int64 if jax.config.jax_enable_x64 else jnp.int32)
    # truncated normal init, mean=0, std=1, a=-3, b=3
    weight = jax.random.truncated_normal(k2, -3.0, 3.0, (NUM_EMBEDDINGS, EMBEDDING_DIM), dtype=jnp.float32)
    return {"token_ids": token_ids, "weight": weight}

def reference(token_ids, weight):
    token_ids_long = token_ids.astype(jnp.int32)
    return jnp.take(weight, token_ids_long, axis=0)

if __name__ == "__main__":
    import jax
    _d = setup_inputs()
    print(jax.jit(kernel)(*tuple(_d.values())))

</pallas_src>

<mosaic_0001>
#map = affine_map<(d0, d1) -> (0, 0, 0)>
#map1 = affine_map<(d0, d1) -> (0, 0)>
module attributes {stable_mosaic.version = 14 : i64} {
  func.func @body(%arg0: i32, %arg1: i32, %arg2: memref<32x200x128xi32, #tpu.memory_space<hbm>>, %arg3: memref<1000000x64xf32, #tpu.memory_space<hbm>>, %arg4: memref<819200x64xf32, #tpu.memory_space<hbm>>, %arg5: memref<200x128xi32, #tpu.memory_space<vmem>>, %arg6: memref<128x64xf32, #tpu.memory_space<vmem>>, %arg7: memref<128x64xf32, #tpu.memory_space<vmem>>, %arg8: memref<128x64xf32, #tpu.memory_space<vmem>>, %arg9: memref<128x64xf32, #tpu.memory_space<vmem>>, %arg10: memref<128x64xf32, #tpu.memory_space<vmem>>, %arg11: memref<128x64xf32, #tpu.memory_space<vmem>>, %arg12: memref<128x64xf32, #tpu.memory_space<vmem>>, %arg13: memref<128x64xf32, #tpu.memory_space<vmem>>, %arg14: memref<!tpu.dma_semaphore, #tpu.memory_space<semaphore_mem>>, %arg15: memref<!tpu.dma_semaphore, #tpu.memory_space<semaphore_mem>>, %arg16: memref<!tpu.dma_semaphore, #tpu.memory_space<semaphore_mem>>, %arg17: memref<!tpu.dma_semaphore, #tpu.memory_space<semaphore_mem>>, %arg18: memref<!tpu.dma_semaphore, #tpu.memory_space<semaphore_mem>>, %arg19: memref<!tpu.dma_semaphore, #tpu.memory_space<semaphore_mem>>, %arg20: memref<!tpu.dma_semaphore, #tpu.memory_space<semaphore_mem>>, %arg21: memref<!tpu.dma_semaphore, #tpu.memory_space<semaphore_mem>>, %arg22: memref<!tpu.dma_semaphore, #tpu.memory_space<semaphore_mem>>, %arg23: memref<!tpu.dma_semaphore, #tpu.memory_space<semaphore_mem>>, %arg24: memref<!tpu.dma_semaphore, #tpu.memory_space<semaphore_mem>>, %arg25: memref<!tpu.dma_semaphore, #tpu.memory_space<semaphore_mem>>, %arg26: memref<!tpu.dma_semaphore, #tpu.memory_space<semaphore_mem>>, %arg27: memref<!tpu.dma_semaphore, #tpu.memory_space<semaphore_mem>>, %arg28: memref<!tpu.dma_semaphore, #tpu.memory_space<semaphore_mem>>, %arg29: memref<!tpu.dma_semaphore, #tpu.memory_space<semaphore_mem>>) attributes {dimension_semantics = [#tpu.dimension_semantics<core_parallel>, #tpu.dimension_semantics<subcore_parallel>], iteration_bounds = array<i64: 2, 16>, scalar_prefetch = 0 : i64, scratch_operands = 25 : i64, tpu.core_type = #tpu.core_type<sc_vector_subcore>, window_params = [{transform_indices = #map}, {transform_indices = #map1}, {transform_indices = #map1}]} {
    %mul3A = arith.constant 2 : i32
    %mul3A_0 = arith.muli %arg1, %mul3A : i32
    %add3A = arith.addi %mul3A_0, %arg0 : i32
    %mul3A_1 = arith.constant 25600 : i32
    %mul3A_2 = arith.muli %add3A, %mul3A_1 : i32
    "tpu.region"() ({
      %run_scoped3A = tpu.sem_alloc : memref<!tpu.dma_semaphore, #tpu.memory_space<semaphore_mem>>
      %dma_start3A_213 = arith.constant 0 : i32
      %dma_start3A_214 = arith.constant 0 : i32
      %dma_start3A_215 = tpu.memref_slice %arg2[%add3A, %dma_start3A_213, %dma_start3A_214] : memref<32x200x128xi32, #tpu.memory_space<hbm>> -> memref<1x200x128xi32, #tpu.memory_space<hbm>>
      %dma_start3A_216 = tpu.memref_squeeze %dma_start3A_215 : memref<1x200x128xi32, #tpu.memory_space<hbm>> -> memref<200x128xi32, #tpu.memory_space<hbm>>
      %dma_start3A_217 = arith.constant 0 : i32
      %dma_start3A_218 = arith.constant 0 : i32
      %dma_start3A_219 = tpu.memref_slice %arg2[%add3A, %dma_start3A_217, %dma_start3A_218] : memref<32x200x128xi32, #tpu.memory_space<hbm>> -> memref<1x200x128xi32, #tpu.memory_space<hbm>>
      %dma_start3A_220 = tpu.memref_squeeze %dma_start3A_219 : memref<1x200x128xi32, #tpu.memory_space<hbm>> -> memref<200x128xi32, #tpu.memory_space<hbm>>
      tpu.enqueue_dma source(%dma_start3A_220 : memref<200x128xi32, #tpu.memory_space<hbm>>) target(%arg5 : memref<200x128xi32, #tpu.memory_space<vmem>>) target_semaphore(%run_scoped3A : memref<!tpu.dma_semaphore, #tpu.memory_space<semaphore_mem>>)
      %dma_wait3A_221 = arith.constant 0 : i32
      %dma_wait3A_222 = arith.constant 0 : i32
      %dma_wait3A_223 = tpu.memref_slice %arg2[%add3A, %dma_wait3A_221, %dma_wait3A_222] : memref<32x200x128xi32, #tpu.memory_space<hbm>> -> memref<1x200x128xi32, #tpu.memory_space<hbm>>
      %dma_wait3A_224 = tpu.memref_squeeze %dma_wait3A_223 : memref<1x200x128xi32, #tpu.memory_space<hbm>> -> memref<200x128xi32, #tpu.memory_space<hbm>>
      %dma_wait3A_225 = arith.constant 0 : i32
      %dma_wait3A_226 = arith.constant 0 : i32
      %dma_wait3A_227 = tpu.memref_slice %arg2[%add3A, %dma_wait3A_225, %dma_wait3A_226] : memref<32x200x128xi32, #tpu.memory_space<hbm>> -> memref<1x200x128xi32, #tpu.memory_space<hbm>>
      %dma_wait3A_228 = tpu.memref_squeeze %dma_wait3A_227 : memref<1x200x128xi32, #tpu.memory_space<hbm>> -> memref<200x128xi32, #tpu.memory_space<hbm>>
      tpu.wait_dma2 semaphore(%run_scoped3A : memref<!tpu.dma_semaphore, #tpu.memory_space<semaphore_mem>>) src(%dma_wait3A_228 : memref<200x128xi32, #tpu.memory_space<hbm>>) dst(%arg5 : memref<200x128xi32, #tpu.memory_space<vmem>>)
      tpu.yield
    }) : () -> ()
    %dma_start3A = arith.constant 0 : i32
    %dma_start3A_3 = arith.constant 0 : i32
    %dma_start3A_4 = tpu.memref_slice %arg5[%dma_start3A, %dma_start3A_3] : memref<200x128xi32, #tpu.memory_space<vmem>> -> memref<1x128xi32, #tpu.memory_space<vmem>>
    %dma_start3A_5 = tpu.memref_squeeze %dma_start3A_4 : memref<1x128xi32, #tpu.memory_space<vmem>> -> memref<128xi32, #tpu.memory_space<vmem>>
    %dma_start3A_6 = arith.constant 0 : i32
    %dma_start3A_7 = arith.constant 0 : i32
    %dma_start3A_8 = tpu.memref_slice %arg3[%dma_start3A_6, %dma_start3A_7] : memref<1000000x64xf32, #tpu.memory_space<hbm>> -> memref<1000000x64xf32, #tpu.memory_space<hbm>>
    tpu.enqueue_indirect_dma source(%dma_start3A_8 : memref<1000000x64xf32, #tpu.memory_space<hbm>>) target(%arg6 : memref<128x64xf32, #tpu.memory_space<vmem>>) offsets(%dma_start3A_5 : memref<128xi32, #tpu.memory_space<vmem>>) semaphore(%arg14 : memref<!tpu.dma_semaphore, #tpu.memory_space<semaphore_mem>>)
    %dma_start3A_9 = arith.constant 1 : i32
    %dma_start3A_10 = arith.constant 0 : i32
    %dma_start3A_11 = tpu.memref_slice %arg5[%dma_start3A_9, %dma_start3A_10] : memref<200x128xi32, #tpu.memory_space<vmem>> -> memref<1x128xi32, #tpu.memory_space<vmem>>
    %dma_start3A_12 = tpu.memref_squeeze %dma_start3A_11 : memref<1x128xi32, #tpu.memory_space<vmem>> -> memref<128xi32, #tpu.memory_space<vmem>>
    %dma_start3A_13 = arith.constant 0 : i32
    %dma_start3A_14 = arith.constant 0 : i32
    %dma_start3A_15 = tpu.memref_slice %arg3[%dma_start3A_13, %dma_start3A_14] : memref<1000000x64xf32, #tpu.memory_space<hbm>> -> memref<1000000x64xf32, #tpu.memory_space<hbm>>
    tpu.enqueue_indirect_dma source(%dma_start3A_15 : memref<1000000x64xf32, #tpu.memory_space<hbm>>) target(%arg7 : memref<128x64xf32, #tpu.memory_space<vmem>>) offsets(%dma_start3A_12 : memref<128xi32, #tpu.memory_space<vmem>>) semaphore(%arg15 : memref<!tpu.dma_semaphore, #tpu.memory_space<semaphore_mem>>)
    %dma_start3A_16 = arith.constant 2 : i32
    %dma_start3A_17 = arith.constant 0 : i32
    %dma_start3A_18 = tpu.memref_slice %arg5[%dma_start3A_16, %dma_start3A_17] : memref<200x128xi32, #tpu.memory_space<vmem>> -> memref<1x128xi32, #tpu.memory_space<vmem>>
    %dma_start3A_19 = tpu.memref_squeeze %dma_start3A_18 : memref<1x128xi32, #tpu.memory_space<vmem>> -> memref<128xi32, #tpu.memory_space<vmem>>
    %dma_start3A_20 = arith.constant 0 : i32
    %dma_start3A_21 = arith.constant 0 : i32
    %dma_start3A_22 = tpu.memref_slice %arg3[%dma_start3A_20, %dma_start3A_21] : memref<1000000x64xf32, #tpu.memory_space<hbm>> -> memref<1000000x64xf32, #tpu.memory_space<hbm>>
    tpu.enqueue_indirect_dma source(%dma_start3A_22 : memref<1000000x64xf32, #tpu.memory_space<hbm>>) target(%arg8 : memref<128x64xf32, #tpu.memory_space<vmem>>) offsets(%dma_start3A_19 : memref<128xi32, #tpu.memory_space<vmem>>) semaphore(%arg16 : memref<!tpu.dma_semaphore, #tpu.memory_space<semaphore_mem>>)
    %dma_start3A_23 = arith.constant 3 : i32
    %dma_start3A_24 = arith.constant 0 : i32
    %dma_start3A_25 = tpu.memref_slice %arg5[%dma_start3A_23, %dma_start3A_24] : memref<200x128xi32, #tpu.memory_space<vmem>> -> memref<1x128xi32, #tpu.memory_space<vmem>>
    %dma_start3A_26 = tpu.memref_squeeze %dma_start3A_25 : memref<1x128xi32, #tpu.memory_space<vmem>> -> memref<128xi32, #tpu.memory_space<vmem>>
    %dma_start3A_27 = arith.constant 0 : i32
    %dma_start3A_28 = arith.constant 0 : i32
    %dma_start3A_29 = tpu.memref_slice %arg3[%dma_start3A_27, %dma_start3A_28] : memref<1000000x64xf32, #tpu.memory_space<hbm>> -> memref<1000000x64xf32, #tpu.memory_space<hbm>>
    tpu.enqueue_indirect_dma source(%dma_start3A_29 : memref<1000000x64xf32, #tpu.memory_space<hbm>>) target(%arg9 : memref<128x64xf32, #tpu.memory_space<vmem>>) offsets(%dma_start3A_26 : memref<128xi32, #tpu.memory_space<vmem>>) semaphore(%arg17 : memref<!tpu.dma_semaphore, #tpu.memory_space<semaphore_mem>>)
    %dma_wait3A = arith.constant 0 : i32
    %dma_wait3A_30 = arith.constant 0 : i32
    %dma_wait3A_31 = tpu.memref_slice %arg5[%dma_wait3A, %dma_wait3A_30] : memref<200x128xi32, #tpu.memory_space<vmem>> -> memref<1x128xi32, #tpu.memory_space<vmem>>
    %dma_wait3A_32 = tpu.memref_squeeze %dma_wait3A_31 : memref<1x128xi32, #tpu.memory_space<vmem>> -> memref<128xi32, #tpu.memory_space<vmem>>
    %dma_wait3A_33 = arith.constant 0 : i32
    %dma_wait3A_34 = arith.constant 0 : i32
    %dma_wait3A_35 = tpu.memref_slice %arg3[%dma_wait3A_33, %dma_wait3A_34] : memref<1000000x64xf32, #tpu.memory_space<hbm>> -> memref<1000000x64xf32, #tpu.memory_space<hbm>>
    tpu.wait_indirect_dma semaphore(%arg14 : memref<!tpu.dma_semaphore, #tpu.memory_space<semaphore_mem>>) src(%dma_wait3A_35 : memref<1000000x64xf32, #tpu.memory_space<hbm>>) dst(%arg6 : memref<128x64xf32, #tpu.memory_space<vmem>>)
    %add3A_36 = arith.constant 0 : i32
    %add3A_37 = arith.addi %mul3A_2, %add3A_36 : i32
    %dma_start3A_38 = arith.constant 0 : i32
    %dma_start3A_39 = tpu.memref_slice %arg4[%add3A_37, %dma_start3A_38] : memref<819200x64xf32, #tpu.memory_space<hbm>> -> memref<128x64xf32, #tpu.memory_space<hbm>>
    %dma_start3A_40 = arith.constant 0 : i32
    %dma_start3A_41 = tpu.memref_slice %arg4[%add3A_37, %dma_start3A_40] : memref<819200x64xf32, #tpu.memory_space<hbm>> -> memref<128x64xf32, #tpu.memory_space<hbm>>
    tpu.enqueue_dma source(%arg6 : memref<128x64xf32, #tpu.memory_space<vmem>>) target(%dma_start3A_41 : memref<128x64xf32, #tpu.memory_space<hbm>>) target_semaphore(%arg22 : memref<!tpu.dma_semaphore, #tpu.memory_space<semaphore_mem>>)
    %dma_start3A_42 = arith.constant 4 : i32
    %dma_start3A_43 = arith.constant 0 : i32
    %dma_start3A_44 = tpu.memref_slice %arg5[%dma_start3A_42, %dma_start3A_43] : memref<200x128xi32, #tpu.memory_space<vmem>> -> memref<1x128xi32, #tpu.memory_space<vmem>>
    %dma_start3A_45 = tpu.memref_squeeze %dma_start3A_44 : memref<1x128xi32, #tpu.memory_space<vmem>> -> memref<128xi32, #tpu.memory_space<vmem>>
    %dma_start3A_46 = arith.constant 0 : i32
    %dma_start3A_47 = arith.constant 0 : i32
    %dma_start3A_48 = tpu.memref_slice %arg3[%dma_start3A_46, %dma_start3A_47] : memref<1000000x64xf32, #tpu.memory_space<hbm>> -> memref<1000000x64xf32, #tpu.memory_space<hbm>>
    tpu.enqueue_indirect_dma source(%dma_start3A_48 : memref<1000000x64xf32, #tpu.memory_space<hbm>>) target(%arg10 : memref<128x64xf32, #tpu.memory_space<vmem>>) offsets(%dma_start3A_45 : memref<128xi32, #tpu.memory_space<vmem>>) semaphore(%arg18 : memref<!tpu.dma_semaphore, #tpu.memory_space<semaphore_mem>>)
    %dma_wait3A_49 = arith.constant 1 : i32
    %dma_wait3A_50 = arith.constant 0 : i32
    %dma_wait3A_51 = tpu.memref_slice %arg5[%dma_wait3A_49, %dma_wait3A_50] : memref<200x128xi32, #tpu.memory_space<vmem>> -> memref<1x128xi32, #tpu.memory_space<vmem>>
    %dma_wait3A_52 = tpu.memref_squeeze %dma_wait3A_51 : memref<1x128xi32, #tpu.memory_space<vmem>> -> memref<128xi32, #tpu.memory_space<vmem>>
    %dma_wait3A_53 = arith.constant 0 : i32
    %dma_wait3A_54 = arith.constant 0 : i32
    %dma_wait3A_55 = tpu.memref_slice %arg3[%dma_wait3A_53, %dma_wait3A_54] : memref<1000000x64xf32, #tpu.memory_space<hbm>> -> memref<1000000x64xf32, #tpu.memory_space<hbm>>
    tpu.wait_indirect_dma semaphore(%arg15 : memref<!tpu.dma_semaphore, #tpu.memory_space<semaphore_mem>>) src(%dma_wait3A_55 : memref<1000000x64xf32, #tpu.memory_space<hbm>>) dst(%arg7 : memref<128x64xf32, #tpu.memory_space<vmem>>)
    %add3A_56 = arith.constant 128 : i32
    %add3A_57 = arith.addi %mul3A_2, %add3A_56 : i32
    %dma_start3A_58 = arith.constant 0 : i32
    %dma_start3A_59 = tpu.memref_slice %arg4[%add3A_57, %dma_start3A_58] : memref<819200x64xf32, #tpu.memory_space<hbm>> -> memref<128x64xf32, #tpu.memory_space<hbm>>
    %dma_start3A_60 = arith.constant 0 : i32
    %dma_start3A_61 = tpu.memref_slice %arg4[%add3A_57, %dma_start3A_60] : memref<819200x64xf32, #tpu.memory_space<hbm>> -> memref<128x64xf32, #tpu.memory_space<hbm>>
    tpu.enqueue_dma source(%arg7 : memref<128x64xf32, #tpu.memory_space<vmem>>) target(%dma_start3A_61 : memref<128x64xf32, #tpu.memory_space<hbm>>) target_semaphore(%arg23 : memref<!tpu.dma_semaphore, #tpu.memory_space<semaphore_mem>>)
    %dma_start3A_62 = arith.constant 5 : i32
    %dma_start3A_63 = arith.constant 0 : i32
    %dma_start3A_64 = tpu.memref_slice %arg5[%dma_start3A_62, %dma_start3A_63] : memref<200x128xi32, #tpu.memory_space<vmem>> -> memref<1x128xi32, #tpu.memory_space<vmem>>
    %dma_start3A_65 = tpu.memref_squeeze %dma_start3A_64 : memref<1x128xi32, #tpu.memory_space<vmem>> -> memref<128xi32, #tpu.memory_space<vmem>>
    %dma_start3A_66 = arith.constant 0 : i32
    %dma_start3A_67 = arith.constant 0 : i32
    %dma_start3A_68 = tpu.memref_slice %arg3[%dma_start3A_66, %dma_start3A_67] : memref<1000000x64xf32, #tpu.memory_space<hbm>> -> memref<1000000x64xf32, #tpu.memory_space<hbm>>
    tpu.enqueue_indirect_dma source(%dma_start3A_68 : memref<1000000x64xf32, #tpu.memory_space<hbm>>) target(%arg11 : memref<128x64xf32, #tpu.memory_space<vmem>>) offsets(%dma_start3A_65 : memref<128xi32, #tpu.memory_space<vmem>>) semaphore(%arg19 : memref<!tpu.dma_semaphore, #tpu.memory_space<semaphore_mem>>)
    %dma_wait3A_69 = arith.constant 2 : i32
    %dma_wait3A_70 = arith.constant 0 : i32
    %dma_wait3A_71 = tpu.memref_slice %arg5[%dma_wait3A_69, %dma_wait3A_70] : memref<200x128xi32, #tpu.memory_space<vmem>> -> memref<1x128xi32, #tpu.memory_space<vmem>>
    %dma_wait3A_72 = tpu.memref_squeeze %dma_wait3A_71 : memref<1x128xi32, #tpu.memory_space<vmem>> -> memref<128xi32, #tpu.memory_space<vmem>>
    %dma_wait3A_73 = arith.constant 0 : i32
    %dma_wait3A_74 = arith.constant 0 : i32
    %dma_wait3A_75 = tpu.memref_slice %arg3[%dma_wait3A_73, %dma_wait3A_74] : memref<1000000x64xf32, #tpu.memory_space<hbm>> -> memref<1000000x64xf32, #tpu.memory_space<hbm>>
    tpu.wait_indirect_dma semaphore(%arg16 : memref<!tpu.dma_semaphore, #tpu.memory_space<semaphore_mem>>) src(%dma_wait3A_75 : memref<1000000x64xf32, #tpu.memory_space<hbm>>) dst(%arg8 : memref<128x64xf32, #tpu.memory_space<vmem>>)
    %add3A_76 = arith.constant 256 : i32
    %add3A_77 = arith.addi %mul3A_2, %add3A_76 : i32
    %dma_start3A_78 = arith.constant 0 : i32
    %dma_start3A_79 = tpu.memref_slice %arg4[%add3A_77, %dma_start3A_78] : memref<819200x64xf32, #tpu.memory_space<hbm>> -> memref<128x64xf32, #tpu.memory_space<hbm>>
    %dma_start3A_80 = arith.constant 0 : i32
    %dma_start3A_81 = tpu.memref_slice %arg4[%add3A_77, %dma_start3A_80] : memref<819200x64xf32, #tpu.memory_space<hbm>> -> memref<128x64xf32, #tpu.memory_space<hbm>>
    tpu.enqueue_dma source(%arg8 : memref<128x64xf32, #tpu.memory_space<vmem>>) target(%dma_start3A_81 : memref<128x64xf32, #tpu.memory_space<hbm>>) target_semaphore(%arg24 : memref<!tpu.dma_semaphore, #tpu.memory_space<semaphore_mem>>)
    %dma_start3A_82 = arith.constant 6 : i32
    %dma_start3A_83 = arith.constant 0 : i32
    %dma_start3A_84 = tpu.memref_slice %arg5[%dma_start3A_82, %dma_start3A_83] : memref<200x128xi32, #tpu.memory_space<vmem>> -> memref<1x128xi32, #tpu.memory_space<vmem>>
    %dma_start3A_85 = tpu.memref_squeeze %dma_start3A_84 : memref<1x128xi32, #tpu.memory_space<vmem>> -> memref<128xi32, #tpu.memory_space<vmem>>
    %dma_start3A_86 = arith.constant 0 : i32
    %dma_start3A_87 = arith.constant 0 : i32
    %dma_start3A_88 = tpu.memref_slice %arg3[%dma_start3A_86, %dma_start3A_87] : memref<1000000x64xf32, #tpu.memory_space<hbm>> -> memref<1000000x64xf32, #tpu.memory_space<hbm>>
    tpu.enqueue_indirect_dma source(%dma_start3A_88 : memref<1000000x64xf32, #tpu.memory_space<hbm>>) target(%arg12 : memref<128x64xf32, #tpu.memory_space<vmem>>) offsets(%dma_start3A_85 : memref<128xi32, #tpu.memory_space<vmem>>) semaphore(%arg20 : memref<!tpu.dma_semaphore, #tpu.memory_space<semaphore_mem>>)
    %dma_wait3A_89 = arith.constant 3 : i32
    %dma_wait3A_90 = arith.constant 0 : i32
    %dma_wait3A_91 = tpu.memref_slice %arg5[%dma_wait3A_89, %dma_wait3A_90] : memref<200x128xi32, #tpu.memory_space<vmem>> -> memref<1x128xi32, #tpu.memory_space<vmem>>
    %dma_wait3A_92 = tpu.memref_squeeze %dma_wait3A_91 : memref<1x128xi32, #tpu.memory_space<vmem>> -> memref<128xi32, #tpu.memory_space<vmem>>
    %dma_wait3A_93 = arith.constant 0 : i32
    %dma_wait3A_94 = arith.constant 0 : i32
    %dma_wait3A_95 = tpu.memref_slice %arg3[%dma_wait3A_93, %dma_wait3A_94] : memref<1000000x64xf32, #tpu.memory_space<hbm>> -> memref<1000000x64xf32, #tpu.memory_space<hbm>>
    tpu.wait_indirect_dma semaphore(%arg17 : memref<!tpu.dma_semaphore, #tpu.memory_space<semaphore_mem>>) src(%dma_wait3A_95 : memref<1000000x64xf32, #tpu.memory_space<hbm>>) dst(%arg9 : memref<128x64xf32, #tpu.memory_space<vmem>>)
    %add3A_96 = arith.constant 384 : i32
    %add3A_97 = arith.addi %mul3A_2, %add3A_96 : i32
    %dma_start3A_98 = arith.constant 0 : i32
    %dma_start3A_99 = tpu.memref_slice %arg4[%add3A_97, %dma_start3A_98] : memref<819200x64xf32, #tpu.memory_space<hbm>> -> memref<128x64xf32, #tpu.memory_space<hbm>>
    %dma_start3A_100 = arith.constant 0 : i32
    %dma_start3A_101 = tpu.memref_slice %arg4[%add3A_97, %dma_start3A_100] : memref<819200x64xf32, #tpu.memory_space<hbm>> -> memref<128x64xf32, #tpu.memory_space<hbm>>
    tpu.enqueue_dma source(%arg9 : memref<128x64xf32, #tpu.memory_space<vmem>>) target(%dma_start3A_101 : memref<128x64xf32, #tpu.memory_space<hbm>>) target_semaphore(%arg25 : memref<!tpu.dma_semaphore, #tpu.memory_space<semaphore_mem>>)
    %dma_start3A_102 = arith.constant 7 : i32
    %dma_start3A_103 = arith.constant 0 : i32
    %dma_start3A_104 = tpu.memref_slice %arg5[%dma_start3A_102, %dma_start3A_103] : memref<200x128xi32, #tpu.memory_space<vmem>> -> memref<1x128xi32, #tpu.memory_space<vmem>>
    %dma_start3A_105 = tpu.memref_squeeze %dma_start3A_104 : memref<1x128xi32, #tpu.memory_space<vmem>> -> memref<128xi32, #tpu.memory_space<vmem>>
    %dma_start3A_106 = arith.constant 0 : i32
    %dma_start3A_107 = arith.constant 0 : i32
    %dma_start3A_108 = tpu.memref_slice %arg3[%dma_start3A_106, %dma_start3A_107] : memref<1000000x64xf32, #tpu.memory_space<hbm>> -> memref<1000000x64xf32, #tpu.memory_space<hbm>>
    tpu.enqueue_indirect_dma source(%dma_start3A_108 : memref<1000000x64xf32, #tpu.memory_space<hbm>>) target(%arg13 : memref<128x64xf32, #tpu.memory_space<vmem>>) offsets(%dma_start3A_105 : memref<128xi32, #tpu.memory_space<vmem>>) semaphore(%arg21 : memref<!tpu.dma_semaphore, #tpu.memory_space<semaphore_mem>>)
    %scan3A = arith.constant 0 : i32
    %scan3A_109 = arith.constant 24 : i32
    %scan3A_110 = arith.addi %scan3A, %scan3A_109 : i32
    %scan3A_111 = arith.constant 1 : i32
    scf.for %scan3A_213 = %scan3A to %scan3A_110 step %scan3A_111  : i32 {
      %mul3A_214 = arith.constant 8 : i32
      %mul3A_215 = arith.muli %scan3A_213, %mul3A_214 : i32
      %add3A_216 = arith.constant 4 : i32
      %add3A_217 = arith.addi %add3A_216, %mul3A_215 : i32
      %add3A_218 = arith.constant 0 : i32
      %add3A_219 = arith.addi %add3A_217, %add3A_218 : i32
      %dma_wait3A_220 = arith.constant 0 : i32
      %dma_wait3A_221 = tpu.memref_slice %arg5[%add3A_219, %dma_wait3A_220] : memref<200x128xi32, #tpu.memory_space<vmem>> -> memref<1x128xi32, #tpu.memory_space<vmem>>
      %dma_wait3A_222 = tpu.memref_squeeze %dma_wait3A_221 : memref<1x128xi32, #tpu.memory_space<vmem>> -> memref<128xi32, #tpu.memory_space<vmem>>
      %dma_wait3A_223 = arith.constant 0 : i32
      %dma_wait3A_224 = arith.constant 0 : i32
      %dma_wait3A_225 = tpu.memref_slice %arg3[%dma_wait3A_223, %dma_wait3A_224] : memref<1000000x64xf32, #tpu.memory_space<hbm>> -> memref<1000000x64xf32, #tpu.memory_space<hbm>>
      tpu.wait_indirect_dma semaphore(%arg18 : memref<!tpu.dma_semaphore, #tpu.memory_space<semaphore_mem>>) src(%dma_wait3A_225 : memref<1000000x64xf32, #tpu.memory_space<hbm>>) dst(%arg10 : memref<128x64xf32, #tpu.memory_space<vmem>>)
      %mul3A_226 = arith.constant 128 : i32
      %mul3A_227 = arith.muli %add3A_219, %mul3A_226 : i32
      %add3A_228 = arith.addi %mul3A_2, %mul3A_227 : i32
      %dma_start3A_229 = arith.constant 0 : i32
      %dma_start3A_230 = tpu.memref_slice %arg4[%add3A_228, %dma_start3A_229] : memref<819200x64xf32, #tpu.memory_space<hbm>> -> memref<128x64xf32, #tpu.memory_space<hbm>>
      %dma_start3A_231 = arith.constant 0 : i32
      %dma_start3A_232 = tpu.memref_slice %arg4[%add3A_228, %dma_start3A_231] : memref<819200x64xf32, #tpu.memory_space<hbm>> -> memref<128x64xf32, #tpu.memory_space<hbm>>
      tpu.enqueue_dma source(%arg10 : memref<128x64xf32, #tpu.memory_space<vmem>>) target(%dma_start3A_232 : memref<128x64xf32, #tpu.memory_space<hbm>>) target_semaphore(%arg26 : memref<!tpu.dma_semaphore, #tpu.memory_space<semaphore_mem>>)
      %sub3A = arith.constant 4 : i32
      %sub3A_233 = arith.subi %add3A_219, %sub3A : i32
      %mul3A_234 = arith.constant 128 : i32
      %mul3A_235 = arith.muli %sub3A_233, %mul3A_234 : i32
      %add3A_236 = arith.addi %mul3A_2, %mul3A_235 : i32
      %dma_wait3A_237 = arith.constant 0 : i32
      %dma_wait3A_238 = tpu.memref_slice %arg4[%add3A_236, %dma_wait3A_237] : memref<819200x64xf32, #tpu.memory_space<hbm>> -> memref<128x64xf32, #tpu.memory_space<hbm>>
      %dma_wait3A_239 = arith.constant 0 : i32
      %dma_wait3A_240 = tpu.memref_slice %arg4[%add3A_236, %dma_wait3A_239] : memref<819200x64xf32, #tpu.memory_space<hbm>> -> memref<128x64xf32, #tpu.memory_space<hbm>>
      tpu.wait_dma2 semaphore(%arg22 : memref<!tpu.dma_semaphore, #tpu.memory_space<semaphore_mem>>) src(%arg6 : memref<128x64xf32, #tpu.memory_space<vmem>>) dst(%dma_wait3A_240 : memref<128x64xf32, #tpu.memory_space<hbm>>)
      %add3A_241 = arith.constant 4 : i32
      %add3A_242 = arith.addi %add3A_219, %add3A_241 : i32
      %dma_start3A_243 = arith.constant 0 : i32
      %dma_start3A_244 = tpu.memref_slice %arg5[%add3A_242, %dma_start3A_243] : memref<200x128xi32, #tpu.memory_space<vmem>> -> memref<1x128xi32, #tpu.memory_space<vmem>>
      %dma_start3A_245 = tpu.memref_squeeze %dma_start3A_244 : memref<1x128xi32, #tpu.memory_space<vmem>> -> memref<128xi32, #tpu.memory_space<vmem>>
      %dma_start3A_246 = arith.constant 0 : i32
      %dma_start3A_247 = arith.constant 0 : i32
      %dma_start3A_248 = tpu.memref_slice %arg3[%dma_start3A_246, %dma_start3A_247] : memref<1000000x64xf32, #tpu.memory_space<hbm>> -> memref<1000000x64xf32, #tpu.memory_space<hbm>>
      tpu.enqueue_indirect_dma source(%dma_start3A_248 : memref<1000000x64xf32, #tpu.memory_space<hbm>>) target(%arg6 : memref<128x64xf32, #tpu.memory_space<vmem>>) offsets(%dma_start3A_245 : memref<128xi32, #tpu.memory_space<vmem>>) semaphore(%arg14 : memref<!tpu.dma_semaphore, #tpu.memory_space<semaphore_mem>>)
      %add3A_249 = arith.constant 1 : i32
      %add3A_250 = arith.addi %add3A_217, %add3A_249 : i32
      %dma_wait3A_251 = arith.constant 0 : i32
      %dma_wait3A_252 = tpu.memref_slice %arg5[%add3A_250, %dma_wait3A_251] : memref<200x128xi32, #tpu.memory_space<vmem>> -> memref<1x128xi32, #tpu.memory_space<vmem>>
      %dma_wait3A_253 = tpu.memref_squeeze %dma_wait3A_252 : memref<1x128xi32, #tpu.memory_space<vmem>> -> memref<128xi32, #tpu.memory_space<vmem>>
      %dma_wait3A_254 = arith.constant 0 : i32
      %dma_wait3A_255 = arith.constant 0 : i32
      %dma_wait3A_256 = tpu.memref_slice %arg3[%dma_wait3A_254, %dma_wait3A_255] : memref<1000000x64xf32, #tpu.memory_space<hbm>> -> memref<1000000x64xf32, #tpu.memory_space<hbm>>
      tpu.wait_indirect_dma semaphore(%arg19 : memref<!tpu.dma_semaphore, #tpu.memory_space<semaphore_mem>>) src(%dma_wait3A_256 : memref<1000000x64xf32, #tpu.memory_space<hbm>>) dst(%arg11 : memref<128x64xf32, #tpu.memory_space<vmem>>)
      %mul3A_257 = arith.constant 128 : i32
      %mul3A_258 = arith.muli %add3A_250, %mul3A_257 : i32
      %add3A_259 = arith.addi %mul3A_2, %mul3A_258 : i32
      %dma_start3A_260 = arith.constant 0 : i32
      %dma_start3A_261 = tpu.memref_slice %arg4[%add3A_259, %dma_start3A_260] : memref<819200x64xf32, #tpu.memory_space<hbm>> -> memref<128x64xf32, #tpu.memory_space<hbm>>
      %dma_start3A_262 = arith.constant 0 : i32
      %dma_start3A_263 = tpu.memref_slice %arg4[%add3A_259, %dma_start3A_262] : memref<819200x64xf32, #tpu.memory_space<hbm>> -> memref<128x64xf32, #tpu.memory_space<hbm>>
      tpu.enqueue_dma source(%arg11 : memref<128x64xf32, #tpu.memory_space<vmem>>) target(%dma_start3A_263 : memref<128x64xf32, #tpu.memory_space<hbm>>) target_semaphore(%arg27 : memref<!tpu.dma_semaphore, #tpu.memory_space<semaphore_mem>>)
      %sub3A_264 = arith.constant 4 : i32
      %sub3A_265 = arith.subi %add3A_250, %sub3A_264 : i32
      %mul3A_266 = arith.constant 128 : i32
      %mul3A_267 = arith.muli %sub3A_265, %mul3A_266 : i32
      %add3A_268 = arith.addi %mul3A_2, %mul3A_267 : i32
      %dma_wait3A_269 = arith.constant 0 : i32
      %dma_wait3A_270 = tpu.memref_slice %arg4[%add3A_268, %dma_wait3A_269] : memref<819200x64xf32, #tpu.memory_space<hbm>> -> memref<128x64xf32, #tpu.memory_space<hbm>>
      %dma_wait3A_271 = arith.constant 0 : i32
      %dma_wait3A_272 = tpu.memref_slice %arg4[%add3A_268, %dma_wait3A_271] : memref<819200x64xf32, #tpu.memory_space<hbm>> -> memref<128x64xf32, #tpu.memory_space<hbm>>
      tpu.wait_dma2 semaphore(%arg23 : memref<!tpu.dma_semaphore, #tpu.memory_space<semaphore_mem>>) src(%arg7 : memref<128x64xf32, #tpu.memory_space<vmem>>) dst(%dma_wait3A_272 : memref<128x64xf32, #tpu.memory_space<hbm>>)
      %add3A_273 = arith.constant 4 : i32
      %add3A_274 = arith.addi %add3A_250, %add3A_273 : i32
      %dma_start3A_275 = arith.constant 0 : i32
      %dma_start3A_276 = tpu.memref_slice %arg5[%add3A_274, %dma_start3A_275] : memref<200x128xi32, #tpu.memory_space<vmem>> -> memref<1x128xi32, #tpu.memory_space<vmem>>
      %dma_start3A_277 = tpu.memref_squeeze %dma_start3A_276 : memref<1x128xi32, #tpu.memory_space<vmem>> -> memref<128xi32, #tpu.memory_space<vmem>>
      %dma_start3A_278 = arith.constant 0 : i32
      %dma_start3A_279 = arith.constant 0 : i32
      %dma_start3A_280 = tpu.memref_slice %arg3[%dma_start3A_278, %dma_start3A_279] : memref<1000000x64xf32, #tpu.memory_space<hbm>> -> memref<1000000x64xf32, #tpu.memory_space<hbm>>
      tpu.enqueue_indirect_dma source(%dma_start3A_280 : memref<1000000x64xf32, #tpu.memory_space<hbm>>) target(%arg7 : memref<128x64xf32, #tpu.memory_space<vmem>>) offsets(%dma_start3A_277 : memref<128xi32, #tpu.memory_space<vmem>>) semaphore(%arg15 : memref<!tpu.dma_semaphore, #tpu.memory_space<semaphore_mem>>)
      %add3A_281 = arith.constant 2 : i32
      %add3A_282 = arith.addi %add3A_217, %add3A_281 : i32
      %dma_wait3A_283 = arith.constant 0 : i32
      %dma_wait3A_284 = tpu.memref_slice %arg5[%add3A_282, %dma_wait3A_283] : memref<200x128xi32, #tpu.memory_space<vmem>> -> memref<1x128xi32, #tpu.memory_space<vmem>>
      %dma_wait3A_285 = tpu.memref_squeeze %dma_wait3A_284 : memref<1x128xi32, #tpu.memory_space<vmem>> -> memref<128xi32, #tpu.memory_space<vmem>>
      %dma_wait3A_286 = arith.constant 0 : i32
      %dma_wait3A_287 = arith.constant 0 : i32
      %dma_wait3A_288 = tpu.memref_slice %arg3[%dma_wait3A_286, %dma_wait3A_287] : memref<1000000x64xf32, #tpu.memory_space<hbm>> -> memref<1000000x64xf32, #tpu.memory_space<hbm>>
      tpu.wait_indirect_dma semaphore(%arg20 : memref<!tpu.dma_semaphore, #tpu.memory_space<semaphore_mem>>) src(%dma_wait3A_288 : memref<1000000x64xf32, #tpu.memory_space<hbm>>) dst(%arg12 : memref<128x64xf32, #tpu.memory_space<vmem>>)
      %mul3A_289 = arith.constant 128 : i32
      %mul3A_290 = arith.muli %add3A_282, %mul3A_289 : i32
      %add3A_291 = arith.addi %mul3A_2, %mul3A_290 : i32
      %dma_start3A_292 = arith.constant 0 : i32
      %dma_start3A_293 = tpu.memref_slice %arg4[%add3A_291, %dma_start3A_292] : memref<819200x64xf32, #tpu.memory_space<hbm>> -> memref<128x64xf32, #tpu.memory_space<hbm>>
      %dma_start3A_294 = arith.constant 0 : i32
      %dma_start3A_295 = tpu.memref_slice %arg4[%add3A_291, %dma_start3A_294] : memref<819200x64xf32, #tpu.memory_space<hbm>> -> memref<128x64xf32, #tpu.memory_space<hbm>>
      tpu.enqueue_dma source(%arg12 : memref<128x64xf32, #tpu.memory_space<vmem>>) target(%dma_start3A_295 : memref<128x64xf32, #tpu.memory_space<hbm>>) target_semaphore(%arg28 : memref<!tpu.dma_semaphore, #tpu.memory_space<semaphore_mem>>)
      %sub3A_296 = arith.constant 4 : i32
      %sub3A_297 = arith.subi %add3A_282, %sub3A_296 : i32
      %mul3A_298 = arith.constant 128 : i32
      %mul3A_299 = arith.muli %sub3A_297, %mul3A_298 : i32
      %add3A_300 = arith.addi %mul3A_2, %mul3A_299 : i32
      %dma_wait3A_301 = arith.constant 0 : i32
      %dma_wait3A_302 = tpu.memref_slice %arg4[%add3A_300, %dma_wait3A_301] : memref<819200x64xf32, #tpu.memory_space<hbm>> -> memref<128x64xf32, #tpu.memory_space<hbm>>
      %dma_wait3A_303 = arith.constant 0 : i32
      %dma_wait3A_304 = tpu.memref_slice %arg4[%add3A_300, %dma_wait3A_303] : memref<819200x64xf32, #tpu.memory_space<hbm>> -> memref<128x64xf32, #tpu.memory_space<hbm>>
      tpu.wait_dma2 semaphore(%arg24 : memref<!tpu.dma_semaphore, #tpu.memory_space<semaphore_mem>>) src(%arg8 : memref<128x64xf32, #tpu.memory_space<vmem>>) dst(%dma_wait3A_304 : memref<128x64xf32, #tpu.memory_space<hbm>>)
      %add3A_305 = arith.constant 4 : i32
      %add3A_306 = arith.addi %add3A_282, %add3A_305 : i32
      %dma_start3A_307 = arith.constant 0 : i32
      %dma_start3A_308 = tpu.memref_slice %arg5[%add3A_306, %dma_start3A_307] : memref<200x128xi32, #tpu.memory_space<vmem>> -> memref<1x128xi32, #tpu.memory_space<vmem>>
      %dma_start3A_309 = tpu.memref_squeeze %dma_start3A_308 : memref<1x128xi32, #tpu.memory_space<vmem>> -> memref<128xi32, #tpu.memory_space<vmem>>
      %dma_start3A_310 = arith.constant 0 : i32
      %dma_start3A_311 = arith.constant 0 : i32
      %dma_start3A_312 = tpu.memref_slice %arg3[%dma_start3A_310, %dma_start3A_311] : memref<1000000x64xf32, #tpu.memory_space<hbm>> -> memref<1000000x64xf32, #tpu.memory_space<hbm>>
      tpu.enqueue_indirect_dma source(%dma_start3A_312 : memref<1000000x64xf32, #tpu.memory_space<hbm>>) target(%arg8 : memref<128x64xf32, #tpu.memory_space<vmem>>) offsets(%dma_start3A_309 : memref<128xi32, #tpu.memory_space<vmem>>) semaphore(%arg16 : memref<!tpu.dma_semaphore, #tpu.memory_space<semaphore_mem>>)
      %add3A_313 = arith.constant 3 : i32
      %add3A_314 = arith.addi %add3A_217, %add3A_313 : i32
      %dma_wait3A_315 = arith.constant 0 : i32
      %dma_wait3A_316 = tpu.memref_slice %arg5[%add3A_314, %dma_wait3A_315] : memref<200x128xi32, #tpu.memory_space<vmem>> -> memref<1x128xi32, #tpu.memory_space<vmem>>
      %dma_wait3A_317 = tpu.memref_squeeze %dma_wait3A_316 : memref<1x128xi32, #tpu.memory_space<vmem>> -> memref<128xi32, #tpu.memory_space<vmem>>
      %dma_wait3A_318 = arith.constant 0 : i32
      %dma_wait3A_319 = arith.constant 0 : i32
      %dma_wait3A_320 = tpu.memref_slice %arg3[%dma_wait3A_318, %dma_wait3A_319] : memref<1000000x64xf32, #tpu.memory_space<hbm>> -> memref<1000000x64xf32, #tpu.memory_space<hbm>>
      tpu.wait_indirect_dma semaphore(%arg21 : memref<!tpu.dma_semaphore, #tpu.memory_space<semaphore_mem>>) src(%dma_wait3A_320 : memref<1000000x64xf32, #tpu.memory_space<hbm>>) dst(%arg13 : memref<128x64xf32, #tpu.memory_space<vmem>>)
      %mul3A_321 = arith.constant 128 : i32
      %mul3A_322 = arith.muli %add3A_314, %mul3A_321 : i32
      %add3A_323 = arith.addi %mul3A_2, %mul3A_322 : i32
      %dma_start3A_324 = arith.constant 0 : i32
      %dma_start3A_325 = tpu.memref_slice %arg4[%add3A_323, %dma_start3A_324] : memref<819200x64xf32, #tpu.memory_space<hbm>> -> memref<128x64xf32, #tpu.memory_space<hbm>>
      %dma_start3A_326 = arith.constant 0 : i32
      %dma_start3A_327 = tpu.memref_slice %arg4[%add3A_323, %dma_start3A_326] : memref<819200x64xf32, #tpu.memory_space<hbm>> -> memref<128x64xf32, #tpu.memory_space<hbm>>
      tpu.enqueue_dma source(%arg13 : memref<128x64xf32, #tpu.memory_space<vmem>>) target(%dma_start3A_327 : memref<128x64xf32, #tpu.memory_space<hbm>>) target_semaphore(%arg29 : memref<!tpu.dma_semaphore, #tpu.memory_space<semaphore_mem>>)
      %sub3A_328 = arith.constant 4 : i32
      %sub3A_329 = arith.subi %add3A_314, %sub3A_328 : i32
      %mul3A_330 = arith.constant 128 : i32
      %mul3A_331 = arith.muli %sub3A_329, %mul3A_330 : i32
      %add3A_332 = arith.addi %mul3A_2, %mul3A_331 : i32
      %dma_wait3A_333 = arith.constant 0 : i32
      %dma_wait3A_334 = tpu.memref_slice %arg4[%add3A_332, %dma_wait3A_333] : memref<819200x64xf32, #tpu.memory_space<hbm>> -> memref<128x64xf32, #tpu.memory_space<hbm>>
      %dma_wait3A_335 = arith.constant 0 : i32
      %dma_wait3A_336 = tpu.memref_slice %arg4[%add3A_332, %dma_wait3A_335] : memref<819200x64xf32, #tpu.memory_space<hbm>> -> memref<128x64xf32, #tpu.memory_space<hbm>>
      tpu.wait_dma2 semaphore(%arg25 : memref<!tpu.dma_semaphore, #tpu.memory_space<semaphore_mem>>) src(%arg9 : memref<128x64xf32, #tpu.memory_space<vmem>>) dst(%dma_wait3A_336 : memref<128x64xf32, #tpu.memory_space<hbm>>)
      %add3A_337 = arith.constant 4 : i32
      %add3A_338 = arith.addi %add3A_314, %add3A_337 : i32
      %dma_start3A_339 = arith.constant 0 : i32
      %dma_start3A_340 = tpu.memref_slice %arg5[%add3A_338, %dma_start3A_339] : memref<200x128xi32, #tpu.memory_space<vmem>> -> memref<1x128xi32, #tpu.memory_space<vmem>>
      %dma_start3A_341 = tpu.memref_squeeze %dma_start3A_340 : memref<1x128xi32, #tpu.memory_space<vmem>> -> memref<128xi32, #tpu.memory_space<vmem>>
      %dma_start3A_342 = arith.constant 0 : i32
      %dma_start3A_343 = arith.constant 0 : i32
      %dma_start3A_344 = tpu.memref_slice %arg3[%dma_start3A_342, %dma_start3A_343] : memref<1000000x64xf32, #tpu.memory_space<hbm>> -> memref<1000000x64xf32, #tpu.memory_space<hbm>>
      tpu.enqueue_indirect_dma source(%dma_start3A_344 : memref<1000000x64xf32, #tpu.memory_space<hbm>>) target(%arg9 : memref<128x64xf32, #tpu.memory_space<vmem>>) offsets(%dma_start3A_341 : memref<128xi32, #tpu.memory_space<vmem>>) semaphore(%arg17 : memref<!tpu.dma_semaphore, #tpu.memory_space<semaphore_mem>>)
      %add3A_345 = arith.constant 4 : i32
      %add3A_346 = arith.addi %add3A_217, %add3A_345 : i32
      %dma_wait3A_347 = arith.constant 0 : i32
      %dma_wait3A_348 = tpu.memref_slice %arg5[%add3A_346, %dma_wait3A_347] : memref<200x128xi32, #tpu.memory_space<vmem>> -> memref<1x128xi32, #tpu.memory_space<vmem>>
      %dma_wait3A_349 = tpu.memref_squeeze %dma_wait3A_348 : memref<1x128xi32, #tpu.memory_space<vmem>> -> memref<128xi32, #tpu.memory_space<vmem>>
      %dma_wait3A_350 = arith.constant 0 : i32
      %dma_wait3A_351 = arith.constant 0 : i32
      %dma_wait3A_352 = tpu.memref_slice %arg3[%dma_wait3A_350, %dma_wait3A_351] : memref<1000000x64xf32, #tpu.memory_space<hbm>> -> memref<1000000x64xf32, #tpu.memory_space<hbm>>
      tpu.wait_indirect_dma semaphore(%arg14 : memref<!tpu.dma_semaphore, #tpu.memory_space<semaphore_mem>>) src(%dma_wait3A_352 : memref<1000000x64xf32, #tpu.memory_space<hbm>>) dst(%arg6 : memref<128x64xf32, #tpu.memory_space<vmem>>)
      %mul3A_353 = arith.constant 128 : i32
      %mul3A_354 = arith.muli %add3A_346, %mul3A_353 : i32
      %add3A_355 = arith.addi %mul3A_2, %mul3A_354 : i32
      %dma_start3A_356 = arith.constant 0 : i32
      %dma_start3A_357 = tpu.memref_slice %arg4[%add3A_355, %dma_start3A_356] : memref<819200x64xf32, #tpu.memory_space<hbm>> -> memref<128x64xf32, #tpu.memory_space<hbm>>
      %dma_start3A_358 = arith.constant 0 : i32
      %dma_start3A_359 = tpu.memref_slice %arg4[%add3A_355, %dma_start3A_358] : memref<819200x64xf32, #tpu.memory_space<hbm>> -> memref<128x64xf32, #tpu.memory_space<hbm>>
      tpu.enqueue_dma source(%arg6 : memref<128x64xf32, #tpu.memory_space<vmem>>) target(%dma_start3A_359 : memref<128x64xf32, #tpu.memory_space<hbm>>) target_semaphore(%arg22 : memref<!tpu.dma_semaphore, #tpu.memory_space<semaphore_mem>>)
      %sub3A_360 = arith.constant 4 : i32
      %sub3A_361 = arith.subi %add3A_346, %sub3A_360 : i32
      %mul3A_362 = arith.constant 128 : i32
      %mul3A_363 = arith.muli %sub3A_361, %mul3A_362 : i32
      %add3A_364 = arith.addi %mul3A_2, %mul3A_363 : i32
      %dma_wait3A_365 = arith.constant 0 : i32
      %dma_wait3A_366 = tpu.memref_slice %arg4[%add3A_364, %dma_wait3A_365] : memref<819200x64xf32, #tpu.memory_space<hbm>> -> memref<128x64xf32, #tpu.memory_space<hbm>>
      %dma_wait3A_367 = arith.constant 0 : i32
      %dma_wait3A_368 = tpu.memref_slice %arg4[%add3A_364, %dma_wait3A_367] : memref<819200x64xf32, #tpu.memory_space<hbm>> -> memref<128x64xf32, #tpu.memory_space<hbm>>
      tpu.wait_dma2 semaphore(%arg26 : memref<!tpu.dma_semaphore, #tpu.memory_space<semaphore_mem>>) src(%arg10 : memref<128x64xf32, #tpu.memory_space<vmem>>) dst(%dma_wait3A_368 : memref<128x64xf32, #tpu.memory_space<hbm>>)
      %add3A_369 = arith.constant 4 : i32
      %add3A_370 = arith.addi %add3A_346, %add3A_369 : i32
      %dma_start3A_371 = arith.constant 0 : i32
      %dma_start3A_372 = tpu.memref_slice %arg5[%add3A_370, %dma_start3A_371] : memref<200x128xi32, #tpu.memory_space<vmem>> -> memref<1x128xi32, #tpu.memory_space<vmem>>
      %dma_start3A_373 = tpu.memref_squeeze %dma_start3A_372 : memref<1x128xi32, #tpu.memory_space<vmem>> -> memref<128xi32, #tpu.memory_space<vmem>>
      %dma_start3A_374 = arith.constant 0 : i32
      %dma_start3A_375 = arith.constant 0 : i32
      %dma_start3A_376 = tpu.memref_slice %arg3[%dma_start3A_374, %dma_start3A_375] : memref<1000000x64xf32, #tpu.memory_space<hbm>> -> memref<1000000x64xf32, #tpu.memory_space<hbm>>
      tpu.enqueue_indirect_dma source(%dma_start3A_376 : memref<1000000x64xf32, #tpu.memory_space<hbm>>) target(%arg10 : memref<128x64xf32, #tpu.memory_space<vmem>>) offsets(%dma_start3A_373 : memref<128xi32, #tpu.memory_space<vmem>>) semaphore(%arg18 : memref<!tpu.dma_semaphore, #tpu.memory_space<semaphore_mem>>)
      %add3A_377 = arith.constant 5 : i32
      %add3A_378 = arith.addi %add3A_217, %add3A_377 : i32
      %dma_wait3A_379 = arith.constant 0 : i32
      %dma_wait3A_380 = tpu.memref_slice %arg5[%add3A_378, %dma_wait3A_379] : memref<200x128xi32, #tpu.memory_space<vmem>> -> memref<1x128xi32, #tpu.memory_space<vmem>>
      %dma_wait3A_381 = tpu.memref_squeeze %dma_wait3A_380 : memref<1x128xi32, #tpu.memory_space<vmem>> -> memref<128xi32, #tpu.memory_space<vmem>>
      %dma_wait3A_382 = arith.constant 0 : i32
      %dma_wait3A_383 = arith.constant 0 : i32
      %dma_wait3A_384 = tpu.memref_slice %arg3[%dma_wait3A_382, %dma_wait3A_383] : memref<1000000x64xf32, #tpu.memory_space<hbm>> -> memref<1000000x64xf32, #tpu.memory_space<hbm>>
      tpu.wait_indirect_dma semaphore(%arg15 : memref<!tpu.dma_semaphore, #tpu.memory_space<semaphore_mem>>) src(%dma_wait3A_384 : memref<1000000x64xf32, #tpu.memory_space<hbm>>) dst(%arg7 : memref<128x64xf32, #tpu.memory_space<vmem>>)
      %mul3A_385 = arith.constant 128 : i32
      %mul3A_386 = arith.muli %add3A_378, %mul3A_385 : i32
      %add3A_387 = arith.addi %mul3A_2, %mul3A_386 : i32
      %dma_start3A_388 = arith.constant 0 : i32
      %dma_start3A_389 = tpu.memref_slice %arg4[%add3A_387, %dma_start3A_388] : memref<819200x64xf32, #tpu.memory_space<hbm>> -> memref<128x64xf32, #tpu.memory_space<hbm>>
      %dma_start3A_390 = arith.constant 0 : i32
      %dma_start3A_391 = tpu.memref_slice %arg4[%add3A_387, %dma_start3A_390] : memref<819200x64xf32, #tpu.memory_space<hbm>> -> memref<128x64xf32, #tpu.memory_space<hbm>>
      tpu.enqueue_dma source(%arg7 : memref<128x64xf32, #tpu.memory_space<vmem>>) target(%dma_start3A_391 : memref<128x64xf32, #tpu.memory_space<hbm>>) target_semaphore(%arg23 : memref<!tpu.dma_semaphore, #tpu.memory_space<semaphore_mem>>)
      %sub3A_392 = arith.constant 4 : i32
      %sub3A_393 = arith.subi %add3A_378, %sub3A_392 : i32
      %mul3A_394 = arith.constant 128 : i32
      %mul3A_395 = arith.muli %sub3A_393, %mul3A_394 : i32
      %add3A_396 = arith.addi %mul3A_2, %mul3A_395 : i32
      %dma_wait3A_397 = arith.constant 0 : i32
      %dma_wait3A_398 = tpu.memref_slice %arg4[%add3A_396, %dma_wait3A_397] : memref<819200x64xf32, #tpu.memory_space<hbm>> -> memref<128x64xf32, #tpu.memory_space<hbm>>
      %dma_wait3A_399 = arith.constant 0 : i32
      %dma_wait3A_400 = tpu.memref_slice %arg4[%add3A_396, %dma_wait3A_399] : memref<819200x64xf32, #tpu.memory_space<hbm>> -> memref<128x64xf32, #tpu.memory_space<hbm>>
      tpu.wait_dma2 semaphore(%arg27 : memref<!tpu.dma_semaphore, #tpu.memory_space<semaphore_mem>>) src(%arg11 : memref<128x64xf32, #tpu.memory_space<vmem>>) dst(%dma_wait3A_400 : memref<128x64xf32, #tpu.memory_space<hbm>>)
      %add3A_401 = arith.constant 4 : i32
      %add3A_402 = arith.addi %add3A_378, %add3A_401 : i32
      %dma_start3A_403 = arith.constant 0 : i32
      %dma_start3A_404 = tpu.memref_slice %arg5[%add3A_402, %dma_start3A_403] : memref<200x128xi32, #tpu.memory_space<vmem>> -> memref<1x128xi32, #tpu.memory_space<vmem>>
      %dma_start3A_405 = tpu.memref_squeeze %dma_start3A_404 : memref<1x128xi32, #tpu.memory_space<vmem>> -> memref<128xi32, #tpu.memory_space<vmem>>
      %dma_start3A_406 = arith.constant 0 : i32
      %dma_start3A_407 = arith.constant 0 : i32
      %dma_start3A_408 = tpu.memref_slice %arg3[%dma_start3A_406, %dma_start3A_407] : memref<1000000x64xf32, #tpu.memory_space<hbm>> -> memref<1000000x64xf32, #tpu.memory_space<hbm>>
      tpu.enqueue_indirect_dma source(%dma_start3A_408 : memref<1000000x64xf32, #tpu.memory_space<hbm>>) target(%arg11 : memref<128x64xf32, #tpu.memory_space<vmem>>) offsets(%dma_start3A_405 : memref<128xi32, #tpu.memory_space<vmem>>) semaphore(%arg19 : memref<!tpu.dma_semaphore, #tpu.memory_space<semaphore_mem>>)
      %add3A_409 = arith.constant 6 : i32
      %add3A_410 = arith.addi %add3A_217, %add3A_409 : i32
      %dma_wait3A_411 = arith.constant 0 : i32
      %dma_wait3A_412 = tpu.memref_slice %arg5[%add3A_410, %dma_wait3A_411] : memref<200x128xi32, #tpu.memory_space<vmem>> -> memref<1x128xi32, #tpu.memory_space<vmem>>
      %dma_wait3A_413 = tpu.memref_squeeze %dma_wait3A_412 : memref<1x128xi32, #tpu.memory_space<vmem>> -> memref<128xi32, #tpu.memory_space<vmem>>
      %dma_wait3A_414 = arith.constant 0 : i32
      %dma_wait3A_415 = arith.constant 0 : i32
      %dma_wait3A_416 = tpu.memref_slice %arg3[%dma_wait3A_414, %dma_wait3A_415] : memref<1000000x64xf32, #tpu.memory_space<hbm>> -> memref<1000000x64xf32, #tpu.memory_space<hbm>>
      tpu.wait_indirect_dma semaphore(%arg16 : memref<!tpu.dma_semaphore, #tpu.memory_space<semaphore_mem>>) src(%dma_wait3A_416 : memref<1000000x64xf32, #tpu.memory_space<hbm>>) dst(%arg8 : memref<128x64xf32, #tpu.memory_space<vmem>>)
      %mul3A_417 = arith.constant 128 : i32
      %mul3A_418 = arith.muli %add3A_410, %mul3A_417 : i32
      %add3A_419 = arith.addi %mul3A_2, %mul3A_418 : i32
      %dma_start3A_420 = arith.constant 0 : i32
      %dma_start3A_421 = tpu.memref_slice %arg4[%add3A_419, %dma_start3A_420] : memref<819200x64xf32, #tpu.memory_space<hbm>> -> memref<128x64xf32, #tpu.memory_space<hbm>>
      %dma_start3A_422 = arith.constant 0 : i32
      %dma_start3A_423 = tpu.memref_slice %arg4[%add3A_419, %dma_start3A_422] : memref<819200x64xf32, #tpu.memory_space<hbm>> -> memref<128x64xf32, #tpu.memory_space<hbm>>
      tpu.enqueue_dma source(%arg8 : memref<128x64xf32, #tpu.memory_space<vmem>>) target(%dma_start3A_423 : memref<128x64xf32, #tpu.memory_space<hbm>>) target_semaphore(%arg24 : memref<!tpu.dma_semaphore, #tpu.memory_space<semaphore_mem>>)
      %sub3A_424 = arith.constant 4 : i32
      %sub3A_425 = arith.subi %add3A_410, %sub3A_424 : i32
      %mul3A_426 = arith.constant 128 : i32
      %mul3A_427 = arith.muli %sub3A_425, %mul3A_426 : i32
      %add3A_428 = arith.addi %mul3A_2, %mul3A_427 : i32
      %dma_wait3A_429 = arith.constant 0 : i32
      %dma_wait3A_430 = tpu.memref_slice %arg4[%add3A_428, %dma_wait3A_429] : memref<819200x64xf32, #tpu.memory_space<hbm>> -> memref<128x64xf32, #tpu.memory_space<hbm>>
      %dma_wait3A_431 = arith.constant 0 : i32
      %dma_wait3A_432 = tpu.memref_slice %arg4[%add3A_428, %dma_wait3A_431] : memref<819200x64xf32, #tpu.memory_space<hbm>> -> memref<128x64xf32, #tpu.memory_space<hbm>>
      tpu.wait_dma2 semaphore(%arg28 : memref<!tpu.dma_semaphore, #tpu.memory_space<semaphore_mem>>) src(%arg12 : memref<128x64xf32, #tpu.memory_space<vmem>>) dst(%dma_wait3A_432 : memref<128x64xf32, #tpu.memory_space<hbm>>)
      %add3A_433 = arith.constant 4 : i32
      %add3A_434 = arith.addi %add3A_410, %add3A_433 : i32
      %dma_start3A_435 = arith.constant 0 : i32
      %dma_start3A_436 = tpu.memref_slice %arg5[%add3A_434, %dma_start3A_435] : memref<200x128xi32, #tpu.memory_space<vmem>> -> memref<1x128xi32, #tpu.memory_space<vmem>>
      %dma_start3A_437 = tpu.memref_squeeze %dma_start3A_436 : memref<1x128xi32, #tpu.memory_space<vmem>> -> memref<128xi32, #tpu.memory_space<vmem>>
      %dma_start3A_438 = arith.constant 0 : i32
      %dma_start3A_439 = arith.constant 0 : i32
      %dma_start3A_440 = tpu.memref_slice %arg3[%dma_start3A_438, %dma_start3A_439] : memref<1000000x64xf32, #tpu.memory_space<hbm>> -> memref<1000000x64xf32, #tpu.memory_space<hbm>>
      tpu.enqueue_indirect_dma source(%dma_start3A_440 : memref<1000000x64xf32, #tpu.memory_space<hbm>>) target(%arg12 : memref<128x64xf32, #tpu.memory_space<vmem>>) offsets(%dma_start3A_437 : memref<128xi32, #tpu.memory_space<vmem>>) semaphore(%arg20 : memref<!tpu.dma_semaphore, #tpu.memory_space<semaphore_mem>>)
      %add3A_441 = arith.constant 7 : i32
      %add3A_442 = arith.addi %add3A_217, %add3A_441 : i32
      %dma_wait3A_443 = arith.constant 0 : i32
      %dma_wait3A_444 = tpu.memref_slice %arg5[%add3A_442, %dma_wait3A_443] : memref<200x128xi32, #tpu.memory_space<vmem>> -> memref<1x128xi32, #tpu.memory_space<vmem>>
      %dma_wait3A_445 = tpu.memref_squeeze %dma_wait3A_444 : memref<1x128xi32, #tpu.memory_space<vmem>> -> memref<128xi32, #tpu.memory_space<vmem>>
      %dma_wait3A_446 = arith.constant 0 : i32
      %dma_wait3A_447 = arith.constant 0 : i32
      %dma_wait3A_448 = tpu.memref_slice %arg3[%dma_wait3A_446, %dma_wait3A_447] : memref<1000000x64xf32, #tpu.memory_space<hbm>> -> memref<1000000x64xf32, #tpu.memory_space<hbm>>
      tpu.wait_indirect_dma semaphore(%arg17 : memref<!tpu.dma_semaphore, #tpu.memory_space<semaphore_mem>>) src(%dma_wait3A_448 : memref<1000000x64xf32, #tpu.memory_space<hbm>>) dst(%arg9 : memref<128x64xf32, #tpu.memory_space<vmem>>)
      %mul3A_449 = arith.constant 128 : i32
      %mul3A_450 = arith.muli %add3A_442, %mul3A_449 : i32
      %add3A_451 = arith.addi %mul3A_2, %mul3A_450 : i32
      %dma_start3A_452 = arith.constant 0 : i32
      %dma_start3A_453 = tpu.memref_slice %arg4[%add3A_451, %dma_start3A_452] : memref<819200x64xf32, #tpu.memory_space<hbm>> -> memref<128x64xf32, #tpu.memory_space<hbm>>
      %dma_start3A_454 = arith.constant 0 : i32
      %dma_start3A_455 = tpu.memref_slice %arg4[%add3A_451, %dma_start3A_454] : memref<819200x64xf32, #tpu.memory_space<hbm>> -> memref<128x64xf32, #tpu.memory_space<hbm>>
      tpu.enqueue_dma source(%arg9 : memref<128x64xf32, #tpu.memory_space<vmem>>) target(%dma_start3A_455 : memref<128x64xf32, #tpu.memory_space<hbm>>) target_semaphore(%arg25 : memref<!tpu.dma_semaphore, #tpu.memory_space<semaphore_mem>>)
      %sub3A_456 = arith.constant 4 : i32
      %sub3A_457 = arith.subi %add3A_442, %sub3A_456 : i32
      %mul3A_458 = arith.constant 128 : i32
      %mul3A_459 = arith.muli %sub3A_457, %mul3A_458 : i32
      %add3A_460 = arith.addi %mul3A_2, %mul3A_459 : i32
      %dma_wait3A_461 = arith.constant 0 : i32
      %dma_wait3A_462 = tpu.memref_slice %arg4[%add3A_460, %dma_wait3A_461] : memref<819200x64xf32, #tpu.memory_space<hbm>> -> memref<128x64xf32, #tpu.memory_space<hbm>>
      %dma_wait3A_463 = arith.constant 0 : i32
      %dma_wait3A_464 = tpu.memref_slice %arg4[%add3A_460, %dma_wait3A_463] : memref<819200x64xf32, #tpu.memory_space<hbm>> -> memref<128x64xf32, #tpu.memory_space<hbm>>
      tpu.wait_dma2 semaphore(%arg29 : memref<!tpu.dma_semaphore, #tpu.memory_space<semaphore_mem>>) src(%arg13 : memref<128x64xf32, #tpu.memory_space<vmem>>) dst(%dma_wait3A_464 : memref<128x64xf32, #tpu.memory_space<hbm>>)
      %add3A_465 = arith.constant 4 : i32
      %add3A_466 = arith.addi %add3A_442, %add3A_465 : i32
      %dma_start3A_467 = arith.constant 0 : i32
      %dma_start3A_468 = tpu.memref_slice %arg5[%add3A_466, %dma_start3A_467] : memref<200x128xi32, #tpu.memory_space<vmem>> -> memref<1x128xi32, #tpu.memory_space<vmem>>
      %dma_start3A_469 = tpu.memref_squeeze %dma_start3A_468 : memref<1x128xi32, #tpu.memory_space<vmem>> -> memref<128xi32, #tpu.memory_space<vmem>>
      %dma_start3A_470 = arith.constant 0 : i32
      %dma_start3A_471 = arith.constant 0 : i32
      %dma_start3A_472 = tpu.memref_slice %arg3[%dma_start3A_470, %dma_start3A_471] : memref<1000000x64xf32, #tpu.memory_space<hbm>> -> memref<1000000x64xf32, #tpu.memory_space<hbm>>
      tpu.enqueue_indirect_dma source(%dma_start3A_472 : memref<1000000x64xf32, #tpu.memory_space<hbm>>) target(%arg13 : memref<128x64xf32, #tpu.memory_space<vmem>>) offsets(%dma_start3A_469 : memref<128xi32, #tpu.memory_space<vmem>>) semaphore(%arg21 : memref<!tpu.dma_semaphore, #tpu.memory_space<semaphore_mem>>)
    }
    %scan3A_112 = arith.constant 24 : i32
    %dma_wait3A_113 = arith.constant 196 : i32
    %dma_wait3A_114 = arith.constant 0 : i32
    %dma_wait3A_115 = tpu.memref_slice %arg5[%dma_wait3A_113, %dma_wait3A_114] : memref<200x128xi32, #tpu.memory_space<vmem>> -> memref<1x128xi32, #tpu.memory_space<vmem>>
    %dma_wait3A_116 = tpu.memref_squeeze %dma_wait3A_115 : memref<1x128xi32, #tpu.memory_space<vmem>> -> memref<128xi32, #tpu.memory_space<vmem>>
    %dma_wait3A_117 = arith.constant 0 : i32
    %dma_wait3A_118 = arith.constant 0 : i32
    %dma_wait3A_119 = tpu.memref_slice %arg3[%dma_wait3A_117, %dma_wait3A_118] : memref<1000000x64xf32, #tpu.memory_space<hbm>> -> memref<1000000x64xf32, #tpu.memory_space<hbm>>
    tpu.wait_indirect_dma semaphore(%arg18 : memref<!tpu.dma_semaphore, #tpu.memory_space<semaphore_mem>>) src(%dma_wait3A_119 : memref<1000000x64xf32, #tpu.memory_space<hbm>>) dst(%arg10 : memref<128x64xf32, #tpu.memory_space<vmem>>)
    %add3A_120 = arith.constant 25088 : i32
    %add3A_121 = arith.addi %mul3A_2, %add3A_120 : i32
    %dma_start3A_122 = arith.constant 0 : i32
    %dma_start3A_123 = tpu.memref_slice %arg4[%add3A_121, %dma_start3A_122] : memref<819200x64xf32, #tpu.memory_space<hbm>> -> memref<128x64xf32, #tpu.memory_space<hbm>>
    %dma_start3A_124 = arith.constant 0 : i32
    %dma_start3A_125 = tpu.memref_slice %arg4[%add3A_121, %dma_start3A_124] : memref<819200x64xf32, #tpu.memory_space<hbm>> -> memref<128x64xf32, #tpu.memory_space<hbm>>
    tpu.enqueue_dma source(%arg10 : memref<128x64xf32, #tpu.memory_space<vmem>>) target(%dma_start3A_125 : memref<128x64xf32, #tpu.memory_space<hbm>>) target_semaphore(%arg26 : memref<!tpu.dma_semaphore, #tpu.memory_space<semaphore_mem>>)
    %dma_wait3A_126 = arith.constant 197 : i32
    %dma_wait3A_127 = arith.constant 0 : i32
    %dma_wait3A_128 = tpu.memref_slice %arg5[%dma_wait3A_126, %dma_wait3A_127] : memref<200x128xi32, #tpu.memory_space<vmem>> -> memref<1x128xi32, #tpu.memory_space<vmem>>
    %dma_wait3A_129 = tpu.memref_squeeze %dma_wait3A_128 : memref<1x128xi32, #tpu.memory_space<vmem>> -> memref<128xi32, #tpu.memory_space<vmem>>
    %dma_wait3A_130 = arith.constant 0 : i32
    %dma_wait3A_131 = arith.constant 0 : i32
    %dma_wait3A_132 = tpu.memref_slice %arg3[%dma_wait3A_130, %dma_wait3A_131] : memref<1000000x64xf32, #tpu.memory_space<hbm>> -> memref<1000000x64xf32, #tpu.memory_space<hbm>>
    tpu.wait_indirect_dma semaphore(%arg19 : memref<!tpu.dma_semaphore, #tpu.memory_space<semaphore_mem>>) src(%dma_wait3A_132 : memref<1000000x64xf32, #tpu.memory_space<hbm>>) dst(%arg11 : memref<128x64xf32, #tpu.memory_space<vmem>>)
    %add3A_133 = arith.constant 25216 : i32
    %add3A_134 = arith.addi %mul3A_2, %add3A_133 : i32
    %dma_start3A_135 = arith.constant 0 : i32
    %dma_start3A_136 = tpu.memref_slice %arg4[%add3A_134, %dma_start3A_135] : memref<819200x64xf32, #tpu.memory_space<hbm>> -> memref<128x64xf32, #tpu.memory_space<hbm>>
    %dma_start3A_137 = arith.constant 0 : i32
    %dma_start3A_138 = tpu.memref_slice %arg4[%add3A_134, %dma_start3A_137] : memref<819200x64xf32, #tpu.memory_space<hbm>> -> memref<128x64xf32, #tpu.memory_space<hbm>>
    tpu.enqueue_dma source(%arg11 : memref<128x64xf32, #tpu.memory_space<vmem>>) target(%dma_start3A_138 : memref<128x64xf32, #tpu.memory_space<hbm>>) target_semaphore(%arg27 : memref<!tpu.dma_semaphore, #tpu.memory_space<semaphore_mem>>)
    %dma_wait3A_139 = arith.constant 198 : i32
    %dma_wait3A_140 = arith.constant 0 : i32
    %dma_wait3A_141 = tpu.memref_slice %arg5[%dma_wait3A_139, %dma_wait3A_140] : memref<200x128xi32, #tpu.memory_space<vmem>> -> memref<1x128xi32, #tpu.memory_space<vmem>>
    %dma_wait3A_142 = tpu.memref_squeeze %dma_wait3A_141 : memref<1x128xi32, #tpu.memory_space<vmem>> -> memref<128xi32, #tpu.memory_space<vmem>>
    %dma_wait3A_143 = arith.constant 0 : i32
    %dma_wait3A_144 = arith.constant 0 : i32
    %dma_wait3A_145 = tpu.memref_slice %arg3[%dma_wait3A_143, %dma_wait3A_144] : memref<1000000x64xf32, #tpu.memory_space<hbm>> -> memref<1000000x64xf32, #tpu.memory_space<hbm>>
    tpu.wait_indirect_dma semaphore(%arg20 : memref<!tpu.dma_semaphore, #tpu.memory_space<semaphore_mem>>) src(%dma_wait3A_145 : memref<1000000x64xf32, #tpu.memory_space<hbm>>) dst(%arg12 : memref<128x64xf32, #tpu.memory_space<vmem>>)
    %add3A_146 = arith.constant 25344 : i32
    %add3A_147 = arith.addi %mul3A_2, %add3A_146 : i32
    %dma_start3A_148 = arith.constant 0 : i32
    %dma_start3A_149 = tpu.memref_slice %arg4[%add3A_147, %dma_start3A_148] : memref<819200x64xf32, #tpu.memory_space<hbm>> -> memref<128x64xf32, #tpu.memory_space<hbm>>
    %dma_start3A_150 = arith.constant 0 : i32
    %dma_start3A_151 = tpu.memref_slice %arg4[%add3A_147, %dma_start3A_150] : memref<819200x64xf32, #tpu.memory_space<hbm>> -> memref<128x64xf32, #tpu.memory_space<hbm>>
    tpu.enqueue_dma source(%arg12 : memref<128x64xf32, #tpu.memory_space<vmem>>) target(%dma_start3A_151 : memref<128x64xf32, #tpu.memory_space<hbm>>) target_semaphore(%arg28 : memref<!tpu.dma_semaphore, #tpu.memory_space<semaphore_mem>>)
    %dma_wait3A_152 = arith.constant 199 : i32
    %dma_wait3A_153 = arith.constant 0 : i32
    %dma_wait3A_154 = tpu.memref_slice %arg5[%dma_wait3A_152, %dma_wait3A_153] : memref<200x128xi32, #tpu.memory_space<vmem>> -> memref<1x128xi32, #tpu.memory_space<vmem>>
    %dma_wait3A_155 = tpu.memref_squeeze %dma_wait3A_154 : memref<1x128xi32, #tpu.memory_space<vmem>> -> memref<128xi32, #tpu.memory_space<vmem>>
    %dma_wait3A_156 = arith.constant 0 : i32
    %dma_wait3A_157 = arith.constant 0 : i32
    %dma_wait3A_158 = tpu.memref_slice %arg3[%dma_wait3A_156, %dma_wait3A_157] : memref<1000000x64xf32, #tpu.memory_space<hbm>> -> memref<1000000x64xf32, #tpu.memory_space<hbm>>
    tpu.wait_indirect_dma semaphore(%arg21 : memref<!tpu.dma_semaphore, #tpu.memory_space<semaphore_mem>>) src(%dma_wait3A_158 : memref<1000000x64xf32, #tpu.memory_space<hbm>>) dst(%arg13 : memref<128x64xf32, #tpu.memory_space<vmem>>)
    %add3A_159 = arith.constant 25472 : i32
    %add3A_160 = arith.addi %mul3A_2, %add3A_159 : i32
    %dma_start3A_161 = arith.constant 0 : i32
    %dma_start3A_162 = tpu.memref_slice %arg4[%add3A_160, %dma_start3A_161] : memref<819200x64xf32, #tpu.memory_space<hbm>> -> memref<128x64xf32, #tpu.memory_space<hbm>>
    %dma_start3A_163 = arith.constant 0 : i32
    %dma_start3A_164 = tpu.memref_slice %arg4[%add3A_160, %dma_start3A_163] : memref<819200x64xf32, #tpu.memory_space<hbm>> -> memref<128x64xf32, #tpu.memory_space<hbm>>
    tpu.enqueue_dma source(%arg13 : memref<128x64xf32, #tpu.memory_space<vmem>>) target(%dma_start3A_164 : memref<128x64xf32, #tpu.memory_space<hbm>>) target_semaphore(%arg29 : memref<!tpu.dma_semaphore, #tpu.memory_space<semaphore_mem>>)
    %add3A_165 = arith.constant 24576 : i32
    %add3A_166 = arith.addi %mul3A_2, %add3A_165 : i32
    %dma_wait3A_167 = arith.constant 0 : i32
    %dma_wait3A_168 = tpu.memref_slice %arg4[%add3A_166, %dma_wait3A_167] : memref<819200x64xf32, #tpu.memory_space<hbm>> -> memref<128x64xf32, #tpu.memory_space<hbm>>
    %dma_wait3A_169 = arith.constant 0 : i32
    %dma_wait3A_170 = tpu.memref_slice %arg4[%add3A_166, %dma_wait3A_169] : memref<819200x64xf32, #tpu.memory_space<hbm>> -> memref<128x64xf32, #tpu.memory_space<hbm>>
    tpu.wait_dma2 semaphore(%arg22 : memref<!tpu.dma_semaphore, #tpu.memory_space<semaphore_mem>>) src(%arg6 : memref<128x64xf32, #tpu.memory_space<vmem>>) dst(%dma_wait3A_170 : memref<128x64xf32, #tpu.memory_space<hbm>>)
    %add3A_171 = arith.constant 24704 : i32
    %add3A_172 = arith.addi %mul3A_2, %add3A_171 : i32
    %dma_wait3A_173 = arith.constant 0 : i32
    %dma_wait3A_174 = tpu.memref_slice %arg4[%add3A_172, %dma_wait3A_173] : memref<819200x64xf32, #tpu.memory_space<hbm>> -> memref<128x64xf32, #tpu.memory_space<hbm>>
    %dma_wait3A_175 = arith.constant 0 : i32
    %dma_wait3A_176 = tpu.memref_slice %arg4[%add3A_172, %dma_wait3A_175] : memref<819200x64xf32, #tpu.memory_space<hbm>> -> memref<128x64xf32, #tpu.memory_space<hbm>>
    tpu.wait_dma2 semaphore(%arg23 : memref<!tpu.dma_semaphore, #tpu.memory_space<semaphore_mem>>) src(%arg7 : memref<128x64xf32, #tpu.memory_space<vmem>>) dst(%dma_wait3A_176 : memref<128x64xf32, #tpu.memory_space<hbm>>)
    %add3A_177 = arith.constant 24832 : i32
    %add3A_178 = arith.addi %mul3A_2, %add3A_177 : i32
    %dma_wait3A_179 = arith.constant 0 : i32
    %dma_wait3A_180 = tpu.memref_slice %arg4[%add3A_178, %dma_wait3A_179] : memref<819200x64xf32, #tpu.memory_space<hbm>> -> memref<128x64xf32, #tpu.memory_space<hbm>>
    %dma_wait3A_181 = arith.constant 0 : i32
    %dma_wait3A_182 = tpu.memref_slice %arg4[%add3A_178, %dma_wait3A_181] : memref<819200x64xf32, #tpu.memory_space<hbm>> -> memref<128x64xf32, #tpu.memory_space<hbm>>
    tpu.wait_dma2 semaphore(%arg24 : memref<!tpu.dma_semaphore, #tpu.memory_space<semaphore_mem>>) src(%arg8 : memref<128x64xf32, #tpu.memory_space<vmem>>) dst(%dma_wait3A_182 : memref<128x64xf32, #tpu.memory_space<hbm>>)
    %add3A_183 = arith.constant 24960 : i32
    %add3A_184 = arith.addi %mul3A_2, %add3A_183 : i32
    %dma_wait3A_185 = arith.constant 0 : i32
    %dma_wait3A_186 = tpu.memref_slice %arg4[%add3A_184, %dma_wait3A_185] : memref<819200x64xf32, #tpu.memory_space<hbm>> -> memref<128x64xf32, #tpu.memory_space<hbm>>
    %dma_wait3A_187 = arith.constant 0 : i32
    %dma_wait3A_188 = tpu.memref_slice %arg4[%add3A_184, %dma_wait3A_187] : memref<819200x64xf32, #tpu.memory_space<hbm>> -> memref<128x64xf32, #tpu.memory_space<hbm>>
    tpu.wait_dma2 semaphore(%arg25 : memref<!tpu.dma_semaphore, #tpu.memory_space<semaphore_mem>>) src(%arg9 : memref<128x64xf32, #tpu.memory_space<vmem>>) dst(%dma_wait3A_188 : memref<128x64xf32, #tpu.memory_space<hbm>>)
    %add3A_189 = arith.constant 25088 : i32
    %add3A_190 = arith.addi %mul3A_2, %add3A_189 : i32
    %dma_wait3A_191 = arith.constant 0 : i32
    %dma_wait3A_192 = tpu.memref_slice %arg4[%add3A_190, %dma_wait3A_191] : memref<819200x64xf32, #tpu.memory_space<hbm>> -> memref<128x64xf32, #tpu.memory_space<hbm>>
    %dma_wait3A_193 = arith.constant 0 : i32
    %dma_wait3A_194 = tpu.memref_slice %arg4[%add3A_190, %dma_wait3A_193] : memref<819200x64xf32, #tpu.memory_space<hbm>> -> memref<128x64xf32, #tpu.memory_space<hbm>>
    tpu.wait_dma2 semaphore(%arg26 : memref<!tpu.dma_semaphore, #tpu.memory_space<semaphore_mem>>) src(%arg10 : memref<128x64xf32, #tpu.memory_space<vmem>>) dst(%dma_wait3A_194 : memref<128x64xf32, #tpu.memory_space<hbm>>)
    %add3A_195 = arith.constant 25216 : i32
    %add3A_196 = arith.addi %mul3A_2, %add3A_195 : i32
    %dma_wait3A_197 = arith.constant 0 : i32
    %dma_wait3A_198 = tpu.memref_slice %arg4[%add3A_196, %dma_wait3A_197] : memref<819200x64xf32, #tpu.memory_space<hbm>> -> memref<128x64xf32, #tpu.memory_space<hbm>>
    %dma_wait3A_199 = arith.constant 0 : i32
    %dma_wait3A_200 = tpu.memref_slice %arg4[%add3A_196, %dma_wait3A_199] : memref<819200x64xf32, #tpu.memory_space<hbm>> -> memref<128x64xf32, #tpu.memory_space<hbm>>
    tpu.wait_dma2 semaphore(%arg27 : memref<!tpu.dma_semaphore, #tpu.memory_space<semaphore_mem>>) src(%arg11 : memref<128x64xf32, #tpu.memory_space<vmem>>) dst(%dma_wait3A_200 : memref<128x64xf32, #tpu.memory_space<hbm>>)
    %add3A_201 = arith.constant 25344 : i32
    %add3A_202 = arith.addi %mul3A_2, %add3A_201 : i32
    %dma_wait3A_203 = arith.constant 0 : i32
    %dma_wait3A_204 = tpu.memref_slice %arg4[%add3A_202, %dma_wait3A_203] : memref<819200x64xf32, #tpu.memory_space<hbm>> -> memref<128x64xf32, #tpu.memory_space<hbm>>
    %dma_wait3A_205 = arith.constant 0 : i32
    %dma_wait3A_206 = tpu.memref_slice %arg4[%add3A_202, %dma_wait3A_205] : memref<819200x64xf32, #tpu.memory_space<hbm>> -> memref<128x64xf32, #tpu.memory_space<hbm>>
    tpu.wait_dma2 semaphore(%arg28 : memref<!tpu.dma_semaphore, #tpu.memory_space<semaphore_mem>>) src(%arg12 : memref<128x64xf32, #tpu.memory_space<vmem>>) dst(%dma_wait3A_206 : memref<128x64xf32, #tpu.memory_space<hbm>>)
    %add3A_207 = arith.constant 25472 : i32
    %add3A_208 = arith.addi %mul3A_2, %add3A_207 : i32
    %dma_wait3A_209 = arith.constant 0 : i32
    %dma_wait3A_210 = tpu.memref_slice %arg4[%add3A_208, %dma_wait3A_209] : memref<819200x64xf32, #tpu.memory_space<hbm>> -> memref<128x64xf32, #tpu.memory_space<hbm>>
    %dma_wait3A_211 = arith.constant 0 : i32
    %dma_wait3A_212 = tpu.memref_slice %arg4[%add3A_208, %dma_wait3A_211] : memref<819200x64xf32, #tpu.memory_space<hbm>> -> memref<128x64xf32, #tpu.memory_space<hbm>>
    tpu.wait_dma2 semaphore(%arg29 : memref<!tpu.dma_semaphore, #tpu.memory_space<semaphore_mem>>) src(%arg13 : memref<128x64xf32, #tpu.memory_space<vmem>>) dst(%dma_wait3A_212 : memref<128x64xf32, #tpu.memory_space<hbm>>)
    return
  }
}

</mosaic_0001>

<sc_bundles>
// kernel: kernel.3.cloned.1.call-start
scs
__scs_entry_jumppad:
0x0: {  	(pc) =	sbr.rel $0x88, $3  }
0x1: {  	(tag) =	ssettag $0x0;
	lr =	simm.s32 $0x1  }
0x2: {  	[smem:$0x3F9F] =	sst lr;
	_ =	strace $0xD0000000  }
0x3: {  	_ = 	snop  }
0x4: {  	_ = 	snop  }
0x5: {  	_ = 	snop  }
0x6: {  	_ = 	snop  }
0x7: {  	_ = 	snop  }
__scs_overlays_trampoline_lowered:
0x8: {  	[smem:$0x3FAE] =	sst s0  }
0x9: {  	[smem:$0x3FAF] =	sst s1  }
0xa: {  	[smem:$0x3FB0] =	sst s2  }
0xb: {  	[smem:$0x3FB1] =	sst s3  }
0xc: {  	[smem:$0x3FB2] =	sst s4  }
0xd: {  	[smem:$0x3FB3] =	sst s5  }
0xe: {  	[smem:$0x3FB4] =	sst s6  }
0xf: {  	[smem:$0x3FB5] =	sst s7  }
0x10: {  	[smem:$0x3FB6] =	sst s8  }
0x11: {  	[smem:$0x3FB7] =	sst s9;
	s0 =	simm.s32 @!p0 $0x0  }
0x12: {  	s1 =	sld [smem:$0x3F9D];
	s0 =	simm.s32 @p0 $0x1  }
0x13: {  	[smem:$0x3FB8] =	sst s0;
	s0 =	simm.s32 @!p1 $0x0  }
0x14: {  	s2 =	sld [smem:$0x3F9C];
	s0 =	simm.s32 @p1 $0x1  }
0x15: {  	[smem:$0x3FB9] =	sst s0;
	s0 =	simm.s32 @!p2 $0x0  }
0x16: {  	s3 =	sld [smem:$0x3FDB];
	s0 =	simm.s32 @p2 $0x1  }
0x17: {  	s4 =	simm.s32 $0x1BF5;
	[smem:$0x3FBB] =	sst s0  }
0x18: {  	s0 =	sld [smem:$0x3F9E];
	_ =	swait.ge [sflag:s4], $0x0  }
0x19: {  	s7 =	sld [smem:$0x3F9F]  }
0x1a: {  	s8 =	sadd.s32 $0xFFFFE003, lr  }
0x1b: {  	s9 =	sadd.s32 $0xFFFFFEF7, lr;
	s5 =	simm.s32 $0xFFFFFFFF;
	p2 =	slt.u32 s8, $0xFFFFF086  }
0x1c: {  	p1 =	slt.u32 s9, $0xF7A;
	s5 =	simm.s32 @!p2 $0x0  }
0x1d: {  	s5 =	simm.s32 @p1 $0x1;
	p0 =	seq.s32 s7, s2  }
0x1e: {  	s7 =	smul.u32 @!p0 $0xF7A, s2;
	p2 =	seq.s32 @!p0 s5, $0x0  }
0x1f: {  	s9 =	smul.u32 $0xF7A, s1;
	s8 =	simm.s32 @!p0 $0x1BF5;
	p2 =	por !p2, p0  }
0x20: {  	[sflag:s8] =	ssyncset.s32 @!p0 $0xFFFFF086;
	s6 =	sadd.s32 @!p0 s3, s7;
	s7 =	simm.s32 @!p0 $0x108  }
0x21: {  	s3 =	sadd.s32 s3, s9;
	s6 =	sadd.s32 @!p0 $0x88, s6;
	s7 =	simm.s32 @p2 $0x1082  }
0x22: {  	[simem:s7], [sflag:s8] =	dma.local @!p0 [hbm:s6], $0xF7A  }
0x23: {  	s9 =	sor.u32 $0xD0000000, s2;
	s6 =	simm.s32 $0x108;
	_ =	swait.ge @!p0 [sflag:s8], $0x0  }
0x24: {  	s3 =	sadd.s32 $0x88, s3;
	s6 =	simm.s32 @!p1 $0x1082;
	[sflag:s4] =	ssyncset.s32 $0xFFFFF086  }
0x25: {  	[simem:s6], [sflag:s4] =	dma.local [hbm:s3], $0xF7A  }
0x26: {  	[smem:$0x3F9F] =	sst s1;
	(tag) =	ssettag s2;
	_ =	strace s9  }
0x27: {  	s1 =	sld [smem:$0x3FAF]  }
0x28: {  	s2 =	sld [smem:$0x3FB0]  }
0x29: {  	s4 =	sld [smem:$0x3FB2]  }
0x2a: {  	p0 =	seq.s32 s5, $0x0;
	s5 =	sld [smem:$0x3FB3]  }
0x2b: {  	s6 =	sld [smem:$0x3FB4]  }
0x2c: {  	s7 =	sld [smem:$0x3FB5]  }
0x2d: {  	s3 =	simm.s32 $0x108;
	s8 =	sld [smem:$0x3FB6]  }
0x2e: {  	s3 =	simm.s32 @!p0 $0x1082;
	s9 =	sld [smem:$0x3FB7]  }
0x2f: {  	lr =	sadd.s32 s0, s3;
	s0 =	sld [smem:$0x3FAE]  }
0x30: {  	s3 =	sld [smem:$0x3FB1]  }
0x31: {  	[smem:$0x3FBA] =	sst s10  }
0x32: {  	s10 =	sld [smem:$0x3FB8];
	_ =	sdelay $0x3  }
0x33: {  	p0 =	seq.s32 s10, $0x1;
	s10 =	sld [smem:$0x3FBA];
	_ =	sdelay $0x3  }
0x34: {  	[smem:$0x3FBA] =	sst s10  }
0x35: {  	s10 =	sld [smem:$0x3FB9];
	_ =	sdelay $0x3  }
0x36: {  	p1 =	seq.s32 s10, $0x1;
	s10 =	sld [smem:$0x3FBA];
	_ =	sdelay $0x3  }
0x37: {  	[smem:$0x3FBA] =	sst s10  }
0x38: {  	s10 =	sld [smem:$0x3FBB]  }
0x39: {  	_ = 	snop;
	(pc) =	sbr.ind lr, $3  }
0x3a: {  	_ = 	snop  }
0x3b: {  	_ = 	snop  }
0x3c: {  	p2 =	seq.s32 s10, $0x1;
	s10 =	sld [smem:$0x3FBA]  }
0x3d: {  	_ =	shalt  }
0x3e: {  	_ =	shalt  }
0x3f: {  	_ =	shalt  }
0x40: {  	_ =	shalt  }
0x41: {  	_ =	shalt  }
0x42: {  	_ =	shalt  }
0x43: {  	_ =	shalt  }
0x44: {  	_ =	shalt  }
0x45: {  	_ =	shalt  }
0x46: {  	_ =	shalt  }
0x47: {  	_ =	shalt  }
0x48: {  	_ =	shalt  }
0x49: {  	_ =	shalt  }
0x4a: {  	_ =	shalt  }
0x4b: {  	_ =	shalt  }
0x4c: {  	_ =	shalt  }
0x4d: {  	_ =	shalt  }
0x4e: {  	_ =	shalt  }
0x4f: {  	_ =	shalt  }
0x50: {  	_ =	shalt  }
0x51: {  	_ =	shalt  }
0x52: {  	_ =	shalt  }
0x53: {  	_ =	shalt  }
0x54: {  	_ =	shalt  }
0x55: {  	_ =	shalt  }
0x56: {  	_ =	shalt  }
0x57: {  	_ =	shalt  }
0x58: {  	_ =	shalt  }
0x59: {  	_ =	shalt  }
0x5a: {  	_ =	shalt  }
0x5b: {  	_ =	shalt  }
0x5c: {  	_ =	shalt  }
0x5d: {  	_ =	shalt  }
0x5e: {  	_ =	shalt  }
0x5f: {  	_ =	shalt  }
0x60: {  	_ =	shalt  }
0x61: {  	_ =	shalt  }
0x62: {  	_ =	shalt  }
0x63: {  	_ =	shalt  }
0x64: {  	_ =	shalt  }
0x65: {  	_ =	shalt  }
0x66: {  	_ =	shalt  }
0x67: {  	_ =	shalt  }
0x68: {  	_ =	shalt  }
0x69: {  	_ =	shalt  }
0x6a: {  	_ =	shalt  }
0x6b: {  	_ =	shalt  }
0x6c: {  	_ =	shalt  }
0x6d: {  	_ =	shalt  }
0x6e: {  	_ =	shalt  }
0x6f: {  	_ =	shalt  }
0x70: {  	_ =	shalt  }
0x71: {  	_ =	shalt  }
0x72: {  	_ =	shalt  }
0x73: {  	_ =	shalt  }
0x74: {  	_ =	shalt  }
0x75: {  	_ =	shalt  }
0x76: {  	_ =	shalt  }
0x77: {  	_ =	shalt  }
0x78: {  	_ =	shalt  }
0x79: {  	_ =	shalt  }
0x7a: {  	_ =	shalt  }
0x7b: {  	_ =	shalt  }
0x7c: {  	_ =	shalt  }
0x7d: {  	_ =	shalt  }
0x7e: {  	_ =	shalt  }
0x7f: {  	_ =	shalt  }
0x80: {  	_ =	shalt  }
0x81: {  	_ =	shalt  }
0x82: {  	_ =	shalt  }
0x83: {  	_ =	shalt  }
0x84: {  	_ =	shalt  }
0x85: {  	_ =	shalt  }
0x86: {  	_ =	shalt  }
0x87: {  	_ =	shalt  }
.Lfunc_end0:
.L_simem_size_0:
called_computation.1_lowered:
.L_overlay_start_0:
0x88: {  	s2 =	sld [smem:$0x3FD9]  }
0x89: {  	s3 =	sld [smem:$0x3FFE];
	_ =	sdelay $0x1  }
0x8a: {  	s1 =	srdreg.scid  }
0x8b: {  	s0 =	sand.u32 $0x1, s1  }
0x8c: {  	s17 =	sshll.u32 s0, $0xA;
	s2 =	sadd.s32 s3, s2  }
0x8d: {  	s2 =	sadd.s32 s2, s17  }
0x8e: {  	[smem:$0x3FC6] =	sst s2  }
0x8f: {  	_ = 	snop  }
0x90: {  	s2 =	sld [smem:$0x3FD0];
	(tm) =	ssettm $0x1  }
0x91: {  	s18 =	sld [smem:$0x3FFB];
	_ =	sdelay $0x3  }
0x92: {  	_ =	strace s18  }
0x93: {  	s3 =	sld [smem:$0x3FFC];
	_ =	sdelay $0x3  }
0x94: {  	_ =	strace s3  }
0x95: {  	s3 =	sld [smem:$0x3FFD];
	_ =	sdelay $0x3  }
0x96: {  	_ =	strace s3  }
0x97: {  	_ =	strace $0x8FFFFFFF  }
0x98: {  	s19 =	sld [smem:$0x3FDB];
	_ =	sdelay $0x1  }
0x99: {  	s4 =	simm.s32 $_scs_section_size  }
0x9a: {  	s5 =	simm.s32 $_size__tile_overlayer_lowered;
	s6 =	simm.s32 $_tile_overlayer_lowered  }
0x9b: {  	s22 =	simm.s32 $0x1BFF;
	s21 =	sshll.u32 s6, $0x1;
	s3 =	sadd.s32 s4, s19  }
0x9c: {  	s7 =	simm.s32 $0x0;
	s20 =	sshll.u32 s5, $0x1;
	s5 =	sadd.s32 s21, s3  }
0x9d: {  	[timem:s7], [sflag:s22] =	dma.local [hbm:s5], s20  }
0x9e: {  	_ =	swait.ge [sflag:s22], s20  }
0x9f: {  	s4 =	ssub.s32 $0x0, s20;
	[sflag:s22] =	ssyncset.done $0x0  }
0xa0: {  	[sflag:s22] =	ssyncadd.s32 s4;
	_ =	sdelay $0x1  }
0xa1: {  	s23 =	simm.s32 $0x1B8B  }
0xa2: {  	_ =	swait.ge [sflag:s23], $0x1  }
0xa3: {  	[sflag:s23] =	ssyncset.done $0x0  }
0xa4: {  	s25 =	simm.s32 $0x1B8E;
	s24 =	sld [smem:$0x3FFE];
	[sflag:s23] =	ssyncadd.s32 $0xFFFFFFFF  }
0xa5: {  	s26 =	simm.s32 $execute0_lowered;
	[smem:$0x3FD2] =	sst s25  }
0xa6: {  	s5 =	sshll.u32 s26, $0x1;
	_ =	strace $0x80000046;
	[dreg:$0x1] =	wrdreg $0xFFFFFFFF  }
0xa7: {  	s28 =	simm.s32 $_size_execute0_lowered;
	s3 =	sadd.s32 s3, s5;
	[dreg:$0x0] =	wrdreg $0x0  }
0xa8: {  	s5 =	sshll.u32 s28, $0x1;
	[dreg:$0x2] =	wrdreg s3  }
0xa9: {  	[dreg:$0x3] =	wrdreg s5  }
0xaa: {  	[dreg:$0x4] =	wrdreg $0xC0  }
0xab: {  	_ =	task [dreg:s7], $0x5FFFF  }
0xac: {  	[dreg:$0x1] =	wrdreg $0xFFFFFFFF  }
0xad: {  	[dreg:$0x0] =	wrdreg $0x60  }
0xae: {  	[dreg:$0x2] =	wrdreg s24  }
0xaf: {  	[dreg:$0x3] =	wrdreg s2  }
0xb0: {  	[dreg:$0x4] =	wrdreg $0x9  }
0xb1: {  	_ =	task.clear_ibuf [dreg:s7], $0x5FFFF;
	_ =	strace $0x90000046  }
0xb2: {  	s29 =	simm.s32 $0x9;
	_ =	strace $0x80000048  }
0xb3: {  	_ =	swait.ge [sflag:s29], $0x1  }
0xb4: {  	[sflag:s29] =	ssyncadd.s32 $0xFFFFFFFF  }
0xb5: {  	_ =	strace $0x90000048  }
0xb6: {  	_ =	sfence  }
0xb7: {  	s30 =	sld [smem:$0x0];
	_ =	sdelay $0x2  }
0xb8: {  	s31 =	sshll.u32 s1, $0xD;
	s1 =	sshrl.u32 s1, $0x2  }
0xb9: {  	s3 =	sand.u32 $0x4000, s31;
	s1 =	sadd.s32 s1, s30  }
0xba: {  	s0 =	sor.u32 s3, s0;
	s1 =	sshll.u32 s1, $0x11  }
0xbb: {  	s0 =	sor.u32 s1, s0  }
0xbc: {  	s0 =	sadd.s32 $0x8F2B, s0  }
0xbd: {  	[sflag:s0] =	ssyncadd.remote.s32 $0x1  }
0xbe: {  	_ =	sfence.sel $0xFFFF  }
0xbf: {  	[dreg:$0x0] =	wrdreg $0xFFFFFFFF;
	(pc) =	sbr.abs _section_cstart, $3  }
0xc0: {  	[dreg:$0x1] =	wrdreg $0xFFFFFFFF  }
0xc1: {  	_ =	task.clear_ibuf [dreg:s7], $0x2FFFF;
	_ =	strace $0x9FFFFFFF  }
0xc2: {  	(tm) =	ssettm $0x7FFFFFFF  }
0xc3: {  	_ =	shalt  }
tec
execute0_lowered:
.L_overlay_start_1:
0x0: {  	(tag) =	ssettag $0x1  }
0x1: {  	s0 =	rddreg [dreg:$0x0]  }
0x2: {  	s1 =	srdreg.scid;
	s5 =	stileid.u32  }
0x3: {  	s10 =	rddreg [dreg:$0x1];
	s3 =	simm.s32 $0x0;
	s29 =	simm.s32 $0x10400  }
0x4: {  	s30 =	simm.s32 $0x3;
	s28 =	simm.s32 $0x9;
	s31 =	simm.s32 $0x6  }
0x5: {  	s1 =	sand.u32 $0x1, s1;
	s2 =	sshll.u32 s5, $0x1;
	s5 =	smul.u32 $0xC800, s5  }
0x6: {  	s2 =	sor.u32 s1, s2;
	s6 =	ssub.s32 $0x2, s1;
	s1 =	smul.u32 $0x6400, s1  }
0x7: {  	s11 =	simm.s32 $0xE;
	[smem:$0x7FF] =	sst s3;
	s4 =	smul.u32 $0x6400, s2  }
0x8: {  	_ =	strace $0x80000047;
	s8 =	sshrl.u32 s6, $0x1;
	s9 =	smul.u32 $0x32000, s2  }
0x9: {  	s2 =	smul.u32 $0x190000, s2;
	s12 =	ssub.s32 s6, s8;
	s1 =	sadd.s32 s1, s5  }
0xa: {  	s5 =	simm.s32 $0x7;
	s8 =	simm.s32 $0x8;
	s14 =	sadd.s32 s10, s9  }
0xb: {  	s4 =	sshrl.u32 s4, $0x3;
	s15 =	sadd.s32 $0x400, s14;
	[dreg:$0xc] =	wrdreg s14  }
0xc: {  	s1 =	sshll.u32 s1, $0x3;
	s16 =	sadd.s32 $0x800, s14;
	[dreg:$0xd] =	wrdreg s15  }
0xd: {  	s2 =	sshrl.u32 s2, $0x3;
	s17 =	sor.u32 $0x1C00, s1;
	[dreg:$0xe] =	wrdreg s16  }
0xe: {  	s9 =	simm.s32 $0xC;
	s6 =	sadd.s32 $0xC00, s14;
	[dreg:$0x3] =	wrdreg s17  }
0xf: {  	s7 =	sadd.s32 s4, s0;
	s18 =	sor.u32 $0x1800, s1;
	[dreg:$0xf] =	wrdreg s6  }
0x10: {  	s4 =	sadd.s32 $0xF42E00, s0;
	s19 =	sor.u32 $0x1400, s1;
	[dreg:$0x4] =	wrdreg s18  }
0x11: {  	s20 =	sor.u32 $0x1000, s1;
	s2 =	sadd.s32 s10, s2;
	[dreg:$0x5] =	wrdreg s19  }
0x12: {  	s21 =	sadd.s32 $0x2C00, s1;
	s23 =	sadd.s32 $0x2800, s1;
	[dreg:$0x6] =	wrdreg s20  }
0x13: {  	s25 =	sadd.s32 $0x2400, s1;
	s1 =	sadd.s32 $0x2000, s1;
	[dreg:$0x7] =	wrdreg s21  }
0x14: {  	s0 =	smax.u32 s12, $0x1;
	s10 =	simm.s32 $0xD;
	[dreg:$0x8] =	wrdreg s23  }
0x15: {  	s12 =	simm.s32 $0xF;
	s13 =	sadd.s32 $0xA00, s7;
	[dreg:$0x9] =	wrdreg s25  }
0x16: {  	s22 =	sadd.s32 $0x31000, s2;
	s24 =	sadd.s32 $0x31400, s2;
	[dreg:$0x14] =	wrdreg s0  }
0x17: {  	s26 =	sadd.s32 $0x31800, s2;
	s2 =	sadd.s32 $0x31C00, s2;
	[dreg:$0xa] =	wrdreg s1  }
0x18: {  	s16 =	simm.s32 $0x80;
	s17 =	simm.s32 $0x6400;
	s18 =	simm.s32 $0x8400  }
0x19: {  	s20 =	simm.s32 $0xA400;
	s23 =	simm.s32 $0x1;
	[dreg:$0xb] =	wrdreg s13  }
0x1a: {  	s25 =	simm.s32 $0xE400;
	s1 =	simm.s32 $0x12400;
	[dreg:$0x10] =	wrdreg s22  }
0x1b: {  	s0 =	simm.s32 $0x4;
	s21 =	simm.s32 $0x14400;
	[dreg:$0x11] =	wrdreg s24  }
0x1c: {  	s19 =	simm.s32 $0xA;
	s7 =	simm.s32 $0xB;
	[dreg:$0x12] =	wrdreg s26  }
0x1d: {  	s6 =	simm.s32 $0x0;
	[dreg:$0x13] =	wrdreg s2;
	s22 =	simm.s32 $0xC400  }
0x1e: {  	s26 =	simm.s32 $0x2;
	s24 =	simm.s32 $0x5;
	s13 =	simm.s32 $0x10  }
.LBB2_1:
0x1f: {  	[dreg:$0x15] =	wrdreg s6  }
0x20: {  	s2 =	rddreg [dreg:$0xb];
	s6 =	simm.s32 $0x11  }
0x21: {  	[tilespmem:s3], [sflag:$0x11] =	stream.linear.gather [hbm4b:s2+s3], $0x6400, $0x38;
	[tilespmem:$0x16400] =	vst v63  }
0x22: {  	_ =	swait.ge [sflag:s6], $0x6400  }
0x23: {  	[sflag:s6] =	ssyncset.done $0x0  }
0x24: {  	[sflag:s6] =	ssyncadd.s32 $0xFFFF9C00  }
0x25: {  	[tilespmem:s17], [sflag:$0x1] =	stream.indirect.gather [hbm4b:s4+s16], $0x40, s3, s16, $0xb8;
	[tilespmem:$0x16400] =	vst v63  }
0x26: {  	_ = 	snop  }
0x27: {  	[tilespmem:s18], [sflag:$0x2] =	stream.indirect.gather [hbm4b:s4+s16], $0x40, s16, s16, $0xb8;
	[tilespmem:$0x16400] =	vst v63  }
0x28: {  	s14 =	simm.s32 $0x100  }
0x29: {  	[tilespmem:s20], [sflag:$0x3] =	stream.indirect.gather [hbm4b:s4+s16], $0x40, s14, s16, $0xb8;
	[tilespmem:$0x16400] =	vst v63  }
0x2a: {  	s15 =	simm.s32 $0x180  }
0x2b: {  	[tilespmem:s22], [sflag:$0x4] =	stream.indirect.gather [hbm4b:s4+s16], $0x40, s15, s16, $0xb8;
	[tilespmem:$0x16400] =	vst v63  }
0x2c: {  	_ =	swait.ge [sflag:s23], $0x2000  }
0x2d: {  	[sflag:s23] =	ssyncset.done $0x0  }
0x2e: {  	s6 =	rddreg [dreg:$0xc];
	[sflag:s23] =	ssyncadd.s32 $0xFFFFE000  }
0x2f: {  	[hbm4b:s6+s3] =	stream.linear.scatter [tilespmem:s17], [sflag:$0x9], $0x2000, $0x38;
	[tilespmem:$0x16400] =	vst v63  }
0x30: {  	s14 =	simm.s32 $0x200  }
0x31: {  	[tilespmem:s25], [sflag:$0x5] =	stream.indirect.gather [hbm4b:s4+s16], $0x40, s14, s16, $0xb8;
	[tilespmem:$0x16400] =	vst v63  }
0x32: {  	_ =	swait.ge [sflag:s26], $0x2000  }
0x33: {  	[sflag:s26] =	ssyncset.done $0x0  }
0x34: {  	s15 =	rddreg [dreg:$0xd];
	[sflag:s26] =	ssyncadd.s32 $0xFFFFE000  }
0x35: {  	[hbm4b:s15+s3] =	stream.linear.scatter [tilespmem:s18], [sflag:$0xA], $0x2000, $0x38;
	[tilespmem:$0x16400] =	vst v63  }
0x36: {  	s6 =	simm.s32 $0x280  }
0x37: {  	[tilespmem:s29], [sflag:$0x6] =	stream.indirect.gather [hbm4b:s4+s16], $0x40, s6, s16, $0xb8;
	[tilespmem:$0x16400] =	vst v63  }
0x38: {  	_ =	swait.ge [sflag:s30], $0x2000  }
0x39: {  	[sflag:s30] =	ssyncset.done $0x0  }
0x3a: {  	s14 =	rddreg [dreg:$0xe];
	[sflag:s30] =	ssyncadd.s32 $0xFFFFE000  }
0x3b: {  	[hbm4b:s14+s3] =	stream.linear.scatter [tilespmem:s20], [sflag:$0xB], $0x2000, $0x38;
	[tilespmem:$0x16400] =	vst v63  }
0x3c: {  	s15 =	simm.s32 $0x300  }
0x3d: {  	[tilespmem:s1], [sflag:$0x7] =	stream.indirect.gather [hbm4b:s4+s16], $0x40, s15, s16, $0xb8;
	[tilespmem:$0x16400] =	vst v63  }
0x3e: {  	_ =	swait.ge [sflag:s0], $0x2000  }
0x3f: {  	[sflag:s0] =	ssyncset.done $0x0  }
0x40: {  	s6 =	rddreg [dreg:$0xf];
	[sflag:s0] =	ssyncadd.s32 $0xFFFFE000  }
0x41: {  	[hbm4b:s6+s3] =	stream.linear.scatter [tilespmem:s22], [sflag:$0xC], $0x2000, $0x38;
	[tilespmem:$0x16400] =	vst v63  }
0x42: {  	s14 =	simm.s32 $0x380  }
0x43: {  	[tilespmem:s21], [sflag:$0x8] =	stream.indirect.gather [hbm4b:s4+s16], $0x40, s14, s16, $0xb8;
	[tilespmem:$0x16400] =	vst v63  }
0x44: {  	_ =	swait.ge [sflag:s24], $0x2000  }
0x45: {  	[sflag:s24] =	ssyncset.done $0x0  }
0x46: {  	s15 =	rddreg [dreg:$0x6];
	[sflag:s24] =	ssyncadd.s32 $0xFFFFE000  }
0x47: {  	s14 =	rddreg [dreg:$0x1]  }
0x48: {  	s2 =	sadd.s32 s14, s15  }
0x49: {  	[hbm4b:s2+s3] =	stream.linear.scatter [tilespmem:s25], [sflag:$0xD], $0x2000, $0x38;
	[tilespmem:$0x16400] =	vst v63  }
0x4a: {  	_ =	swait.ge [sflag:s28], $0x2000  }
0x4b: {  	[sflag:s28] =	ssyncset.done $0x0  }
0x4c: {  	s6 =	simm.s32 $0x400;
	[sflag:s28] =	ssyncadd.s32 $0xFFFFE000  }
0x4d: {  	[tilespmem:s17], [sflag:$0x1] =	stream.indirect.gather [hbm4b:s4+s16], $0x40, s6, s16, $0xb8;
	[tilespmem:$0x16400] =	vst v63  }
0x4e: {  	_ =	swait.ge [sflag:s31], $0x2000  }
0x4f: {  	s15 =	rddreg [dreg:$0x5];
	[sflag:s31] =	ssyncset.done $0x0  }
0x50: {  	[sflag:s31] =	ssyncadd.s32 $0xFFFFE000;
	s2 =	sadd.s32 s14, s15  }
0x51: {  	[hbm4b:s2+s3] =	stream.linear.scatter [tilespmem:s29], [sflag:$0xE], $0x2000, $0x38;
	[tilespmem:$0x16400] =	vst v63  }
0x52: {  	_ =	swait.ge [sflag:s19], $0x2000  }
0x53: {  	[sflag:s19] =	ssyncset.done $0x0  }
0x54: {  	s6 =	simm.s32 $0x480;
	[sflag:s19] =	ssyncadd.s32 $0xFFFFE000  }
0x55: {  	[tilespmem:s18], [sflag:$0x2] =	stream.indirect.gather [hbm4b:s4+s16], $0x40, s6, s16, $0xb8;
	[tilespmem:$0x16400] =	vst v63  }
0x56: {  	_ =	swait.ge [sflag:s5], $0x2000  }
0x57: {  	s15 =	rddreg [dreg:$0x4];
	[sflag:s5] =	ssyncset.done $0x0  }
0x58: {  	[sflag:s5] =	ssyncadd.s32 $0xFFFFE000;
	s2 =	sadd.s32 s14, s15  }
0x59: {  	[hbm4b:s2+s3] =	stream.linear.scatter [tilespmem:s1], [sflag:$0xF], $0x2000, $0x38;
	[tilespmem:$0x16400] =	vst v63  }
0x5a: {  	_ =	swait.ge [sflag:s7], $0x2000  }
0x5b: {  	[sflag:s7] =	ssyncset.done $0x0  }
0x5c: {  	s6 =	simm.s32 $0x500;
	[sflag:s7] =	ssyncadd.s32 $0xFFFFE000  }
0x5d: {  	[tilespmem:s20], [sflag:$0x3] =	stream.indirect.gather [hbm4b:s4+s16], $0x40, s6, s16, $0xb8;
	[tilespmem:$0x16400] =	vst v63  }
0x5e: {  	_ =	swait.ge [sflag:s8], $0x2000  }
0x5f: {  	s15 =	rddreg [dreg:$0x3];
	[sflag:s8] =	ssyncset.done $0x0  }
0x60: {  	[sflag:s8] =	ssyncadd.s32 $0xFFFFE000;
	s2 =	sadd.s32 s14, s15  }
0x61: {  	[hbm4b:s2+s3] =	stream.linear.scatter [tilespmem:s21], [sflag:$0x10], $0x2000, $0x38;
	[tilespmem:$0x16400] =	vst v63  }
0x62: {  	_ =	swait.ge [sflag:s9], $0x2000  }
0x63: {  	[sflag:s9] =	ssyncset.done $0x0  }
0x64: {  	s6 =	simm.s32 $0x580;
	[sflag:s9] =	ssyncadd.s32 $0xFFFFE000  }
0x65: {  	[tilespmem:s22], [sflag:$0x4] =	stream.indirect.gather [hbm4b:s4+s16], $0x40, s6, s16, $0xb8;
	[tilespmem:$0x16400] =	vst v63  }
0x66: {  	_ =	swait.ge [sflag:s23], $0x2000  }
0x67: {  	s15 =	rddreg [dreg:$0xa];
	[sflag:s23] =	ssyncset.done $0x0  }
0x68: {  	[sflag:s23] =	ssyncadd.s32 $0xFFFFE000;
	s2 =	sadd.s32 s14, s15  }
0x69: {  	[hbm4b:s2+s3] =	stream.linear.scatter [tilespmem:s17], [sflag:$0x9], $0x2000, $0x38;
	[tilespmem:$0x16400] =	vst v63  }
0x6a: {  	_ =	swait.ge [sflag:s10], $0x2000  }
0x6b: {  	[sflag:s10] =	ssyncset.done $0x0  }
0x6c: {  	s6 =	simm.s32 $0x600;
	[sflag:s10] =	ssyncadd.s32 $0xFFFFE000  }
0x6d: {  	[tilespmem:s25], [sflag:$0x5] =	stream.indirect.gather [hbm4b:s4+s16], $0x40, s6, s16, $0xb8;
	[tilespmem:$0x16400] =	vst v63  }
0x6e: {  	_ =	swait.ge [sflag:s26], $0x2000  }
0x6f: {  	s15 =	rddreg [dreg:$0x9];
	[sflag:s26] =	ssyncset.done $0x0  }
0x70: {  	[sflag:s26] =	ssyncadd.s32 $0xFFFFE000;
	s2 =	sadd.s32 s14, s15  }
0x71: {  	[hbm4b:s2+s3] =	stream.linear.scatter [tilespmem:s18], [sflag:$0xA], $0x2000, $0x38;
	[tilespmem:$0x16400] =	vst v63  }
0x72: {  	_ =	swait.ge [sflag:s11], $0x2000  }
0x73: {  	[sflag:s11] =	ssyncset.done $0x0  }
0x74: {  	s6 =	simm.s32 $0x680;
	[sflag:s11] =	ssyncadd.s32 $0xFFFFE000  }
0x75: {  	[tilespmem:s29], [sflag:$0x6] =	stream.indirect.gather [hbm4b:s4+s16], $0x40, s6, s16, $0xb8;
	[tilespmem:$0x16400] =	vst v63  }
0x76: {  	_ =	swait.ge [sflag:s30], $0x2000  }
0x77: {  	s15 =	rddreg [dreg:$0x8];
	[sflag:s30] =	ssyncset.done $0x0  }
0x78: {  	[sflag:s30] =	ssyncadd.s32 $0xFFFFE000;
	s2 =	sadd.s32 s14, s15  }
0x79: {  	[hbm4b:s2+s3] =	stream.linear.scatter [tilespmem:s20], [sflag:$0xB], $0x2000, $0x38;
	[tilespmem:$0x16400] =	vst v63  }
0x7a: {  	_ =	swait.ge [sflag:s12], $0x2000  }
0x7b: {  	[sflag:s12] =	ssyncset.done $0x0  }
0x7c: {  	s6 =	simm.s32 $0x700;
	[sflag:s12] =	ssyncadd.s32 $0xFFFFE000  }
0x7d: {  	[tilespmem:s1], [sflag:$0x7] =	stream.indirect.gather [hbm4b:s4+s16], $0x40, s6, s16, $0xb8;
	[tilespmem:$0x16400] =	vst v63  }
0x7e: {  	_ =	swait.ge [sflag:s0], $0x2000  }
0x7f: {  	s15 =	rddreg [dreg:$0x7];
	[sflag:s0] =	ssyncset.done $0x0  }
0x80: {  	[sflag:s0] =	ssyncadd.s32 $0xFFFFE000;
	s2 =	sadd.s32 s14, s15  }
0x81: {  	[hbm4b:s2+s3] =	stream.linear.scatter [tilespmem:s22], [sflag:$0xC], $0x2000, $0x38;
	[tilespmem:$0x16400] =	vst v63  }
0x82: {  	_ =	swait.ge [sflag:s13], $0x2000  }
0x83: {  	s6 =	simm.s32 $0x1000;
	[sflag:s13] =	ssyncset.done $0x0  }
0x84: {  	s15 =	sadd.s32 $0x2000, s14;
	s2 =	simm.s32 $0x780;
	[sflag:s13] =	ssyncadd.s32 $0xFFFFE000  }
.LBB2_2:
0x85: {  	[tilespmem:s21], [sflag:$0x8] =	stream.indirect.gather [hbm4b:s4+s16], $0x40, s2, s16, $0xb8;
	[tilespmem:$0x16400] =	vst v63  }
0x86: {  	_ =	swait.ge [sflag:s24], $0x2000  }
0x87: {  	s14 =	rddreg [dreg:$0x6];
	[sflag:s24] =	ssyncset.done $0x0  }
0x88: {  	[sflag:s24] =	ssyncadd.s32 $0xFFFFE000;
	s14 =	sadd.s32 s15, s14  }
0x89: {  	[hbm4b:s14+s3] =	stream.linear.scatter [tilespmem:s25], [sflag:$0xD], $0x2000, $0x38;
	[tilespmem:$0x16400] =	vst v63  }
0x8a: {  	s2 =	smov.u32 s6;
	_ =	swait.ge [sflag:s28], $0x2000  }
0x8b: {  	s2 =	sshra.s32 s2, $0x2;
	[sflag:s28] =	ssyncset.done $0x0  }
0x8c: {  	s14 =	sadd.s32 $0x400, s2;
	[sflag:s28] =	ssyncadd.s32 $0xFFFFE000  }
0x8d: {  	[tilespmem:s17], [sflag:$0x1] =	stream.indirect.gather [hbm4b:s4+s16], $0x40, s14, s16, $0xb8;
	[tilespmem:$0x16400] =	vst v63  }
0x8e: {  	_ =	swait.ge [sflag:s31], $0x2000  }
0x8f: {  	s14 =	rddreg [dreg:$0x5];
	[sflag:s31] =	ssyncset.done $0x0  }
0x90: {  	[sflag:s31] =	ssyncadd.s32 $0xFFFFE000;
	s14 =	sadd.s32 s15, s14  }
0x91: {  	[hbm4b:s14+s3] =	stream.linear.scatter [tilespmem:s29], [sflag:$0xE], $0x2000, $0x38;
	[tilespmem:$0x16400] =	vst v63  }
0x92: {  	_ =	swait.ge [sflag:s19], $0x2000  }
0x93: {  	[sflag:s19] =	ssyncset.done $0x0  }
0x94: {  	s14 =	sadd.s32 $0x480, s2;
	[sflag:s19] =	ssyncadd.s32 $0xFFFFE000  }
0x95: {  	[tilespmem:s18], [sflag:$0x2] =	stream.indirect.gather [hbm4b:s4+s16], $0x40, s14, s16, $0xb8;
	[tilespmem:$0x16400] =	vst v63  }
0x96: {  	_ =	swait.ge [sflag:s5], $0x2000  }
0x97: {  	s14 =	rddreg [dreg:$0x4];
	[sflag:s5] =	ssyncset.done $0x0  }
0x98: {  	[sflag:s5] =	ssyncadd.s32 $0xFFFFE000;
	s14 =	sadd.s32 s15, s14  }
0x99: {  	[hbm4b:s14+s3] =	stream.linear.scatter [tilespmem:s1], [sflag:$0xF], $0x2000, $0x38;
	[tilespmem:$0x16400] =	vst v63  }
0x9a: {  	_ =	swait.ge [sflag:s7], $0x2000  }
0x9b: {  	[sflag:s7] =	ssyncset.done $0x0  }
0x9c: {  	s14 =	sadd.s32 $0x500, s2;
	[sflag:s7] =	ssyncadd.s32 $0xFFFFE000  }
0x9d: {  	[tilespmem:s20], [sflag:$0x3] =	stream.indirect.gather [hbm4b:s4+s16], $0x40, s14, s16, $0xb8;
	[tilespmem:$0x16400] =	vst v63  }
0x9e: {  	_ =	swait.ge [sflag:s8], $0x2000  }
0x9f: {  	s14 =	rddreg [dreg:$0x3];
	[sflag:s8] =	ssyncset.done $0x0  }
0xa0: {  	[sflag:s8] =	ssyncadd.s32 $0xFFFFE000;
	s14 =	sadd.s32 s15, s14  }
0xa1: {  	[hbm4b:s14+s3] =	stream.linear.scatter [tilespmem:s21], [sflag:$0x10], $0x2000, $0x38;
	[tilespmem:$0x16400] =	vst v63  }
0xa2: {  	_ =	swait.ge [sflag:s9], $0x2000  }
0xa3: {  	[sflag:s9] =	ssyncset.done $0x0  }
0xa4: {  	s14 =	sadd.s32 $0x580, s2;
	[sflag:s9] =	ssyncadd.s32 $0xFFFFE000  }
0xa5: {  	[tilespmem:s22], [sflag:$0x4] =	stream.indirect.gather [hbm4b:s4+s16], $0x40, s14, s16, $0xb8;
	[tilespmem:$0x16400] =	vst v63  }
0xa6: {  	_ =	swait.ge [sflag:s23], $0x2000  }
0xa7: {  	s14 =	rddreg [dreg:$0xa];
	[sflag:s23] =	ssyncset.done $0x0  }
0xa8: {  	[sflag:s23] =	ssyncadd.s32 $0xFFFFE000;
	s14 =	sadd.s32 s15, s14  }
0xa9: {  	[hbm4b:s14+s3] =	stream.linear.scatter [tilespmem:s17], [sflag:$0x9], $0x2000, $0x38;
	[tilespmem:$0x16400] =	vst v63  }
0xaa: {  	_ =	swait.ge [sflag:s10], $0x2000  }
0xab: {  	[sflag:s10] =	ssyncset.done $0x0  }
0xac: {  	s14 =	sadd.s32 $0x600, s2;
	[sflag:s10] =	ssyncadd.s32 $0xFFFFE000  }
0xad: {  	[tilespmem:s25], [sflag:$0x5] =	stream.indirect.gather [hbm4b:s4+s16], $0x40, s14, s16, $0xb8;
	[tilespmem:$0x16400] =	vst v63  }
0xae: {  	_ =	swait.ge [sflag:s26], $0x2000  }
0xaf: {  	s14 =	rddreg [dreg:$0x9];
	[sflag:s26] =	ssyncset.done $0x0  }
0xb0: {  	[sflag:s26] =	ssyncadd.s32 $0xFFFFE000;
	s14 =	sadd.s32 s15, s14  }
0xb1: {  	[hbm4b:s14+s3] =	stream.linear.scatter [tilespmem:s18], [sflag:$0xA], $0x2000, $0x38;
	[tilespmem:$0x16400] =	vst v63  }
0xb2: {  	_ =	swait.ge [sflag:s11], $0x2000  }
0xb3: {  	[sflag:s11] =	ssyncset.done $0x0  }
0xb4: {  	s14 =	sadd.s32 $0x680, s2;
	[sflag:s11] =	ssyncadd.s32 $0xFFFFE000  }
0xb5: {  	[tilespmem:s29], [sflag:$0x6] =	stream.indirect.gather [hbm4b:s4+s16], $0x40, s14, s16, $0xb8;
	[tilespmem:$0x16400] =	vst v63  }
0xb6: {  	_ =	swait.ge [sflag:s30], $0x2000  }
0xb7: {  	s14 =	rddreg [dreg:$0x8];
	[sflag:s30] =	ssyncset.done $0x0  }
0xb8: {  	[sflag:s30] =	ssyncadd.s32 $0xFFFFE000;
	s14 =	sadd.s32 s15, s14  }
0xb9: {  	[hbm4b:s14+s3] =	stream.linear.scatter [tilespmem:s20], [sflag:$0xB], $0x2000, $0x38;
	[tilespmem:$0x16400] =	vst v63  }
0xba: {  	_ =	swait.ge [sflag:s12], $0x2000  }
0xbb: {  	[sflag:s12] =	ssyncset.done $0x0  }
0xbc: {  	s14 =	sadd.s32 $0x700, s2;
	[sflag:s12] =	ssyncadd.s32 $0xFFFFE000  }
0xbd: {  	[tilespmem:s1], [sflag:$0x7] =	stream.indirect.gather [hbm4b:s4+s16], $0x40, s14, s16, $0xb8;
	[tilespmem:$0x16400] =	vst v63  }
0xbe: {  	_ =	swait.ge [sflag:s0], $0x2000  }
0xbf: {  	p0 =	sne.s32 s6, $0x17000;
	s14 =	rddreg [dreg:$0x7];
	[sflag:s0] =	ssyncset.done $0x0  }
.Ltmp0:
0xc0: {  	[sflag:s0] =	ssyncadd.s32 $0xFFFFE000;
	s14 =	sadd.s32 s15, s14;
	(pc) =	sbr.rel @p0 .LBB2_2-.Ltmp0, $4  }
0xc1: {  	[hbm4b:s14+s3] =	stream.linear.scatter [tilespmem:s22], [sflag:$0xC], $0x2000, $0x38;
	[tilespmem:$0x16400] =	vst v63  }
0xc2: {  	_ =	swait.ge [sflag:s13], $0x2000  }
0xc3: {  	s6 =	sadd.s32 $0x1000, s6;
	[sflag:s13] =	ssyncset.done $0x0  }
0xc4: {  	s2 =	sadd.s32 $0x780, s2;
	s15 =	sadd.s32 $0x2000, s15;
	[sflag:s13] =	ssyncadd.s32 $0xFFFFE000  }
0xc5: {  	[tilespmem:s21], [sflag:$0x8] =	stream.indirect.gather [hbm4b:s4+s16], $0x40, s2, s16, $0xb8;
	[tilespmem:$0x16400] =	vst v63  }
0xc6: {  	_ =	swait.ge [sflag:s24], $0x2000  }
0xc7: {  	[sflag:s24] =	ssyncset.done $0x0  }
0xc8: {  	s14 =	rddreg [dreg:$0x10];
	[sflag:s24] =	ssyncadd.s32 $0xFFFFE000  }
0xc9: {  	[hbm4b:s14+s3] =	stream.linear.scatter [tilespmem:s25], [sflag:$0xD], $0x2000, $0x38;
	[tilespmem:$0x16400] =	vst v63  }
0xca: {  	_ =	swait.ge [sflag:s31], $0x2000  }
0xcb: {  	[sflag:s31] =	ssyncset.done $0x0  }
0xcc: {  	s15 =	rddreg [dreg:$0x11];
	[sflag:s31] =	ssyncadd.s32 $0xFFFFE000  }
0xcd: {  	[hbm4b:s15+s3] =	stream.linear.scatter [tilespmem:s29], [sflag:$0xE], $0x2000, $0x38;
	[tilespmem:$0x16400] =	vst v63  }
0xce: {  	_ =	swait.ge [sflag:s5], $0x2000  }
0xcf: {  	[sflag:s5] =	ssyncset.done $0x0  }
0xd0: {  	s6 =	rddreg [dreg:$0x12];
	[sflag:s5] =	ssyncadd.s32 $0xFFFFE000  }
0xd1: {  	[hbm4b:s6+s3] =	stream.linear.scatter [tilespmem:s1], [sflag:$0xF], $0x2000, $0x38;
	[tilespmem:$0x16400] =	vst v63  }
0xd2: {  	_ =	swait.ge [sflag:s8], $0x2000  }
0xd3: {  	[sflag:s8] =	ssyncset.done $0x0  }
0xd4: {  	s14 =	rddreg [dreg:$0x13];
	[sflag:s8] =	ssyncadd.s32 $0xFFFFE000  }
0xd5: {  	[hbm4b:s14+s3] =	stream.linear.scatter [tilespmem:s21], [sflag:$0x10], $0x2000, $0x38;
	[tilespmem:$0x16400] =	vst v63  }
0xd6: {  	_ =	swait.ge [sflag:s28], $0x2000  }
0xd7: {  	[sflag:s28] =	ssyncset.done $0x0  }
0xd8: {  	[sflag:s28] =	ssyncadd.s32 $0xFFFFE000  }
0xd9: {  	_ =	swait.ge [sflag:s19], $0x2000  }
0xda: {  	[sflag:s19] =	ssyncset.done $0x0  }
0xdb: {  	[sflag:s19] =	ssyncadd.s32 $0xFFFFE000  }
0xdc: {  	_ =	swait.ge [sflag:s7], $0x2000  }
0xdd: {  	[sflag:s7] =	ssyncset.done $0x0  }
0xde: {  	[sflag:s7] =	ssyncadd.s32 $0xFFFFE000  }
0xdf: {  	_ =	swait.ge [sflag:s9], $0x2000  }
0xe0: {  	[sflag:s9] =	ssyncset.done $0x0  }
0xe1: {  	[sflag:s9] =	ssyncadd.s32 $0xFFFFE000  }
0xe2: {  	_ =	swait.ge [sflag:s10], $0x2000  }
0xe3: {  	[sflag:s10] =	ssyncset.done $0x0  }
0xe4: {  	[sflag:s10] =	ssyncadd.s32 $0xFFFFE000  }
0xe5: {  	_ =	swait.ge [sflag:s11], $0x2000  }
0xe6: {  	[sflag:s11] =	ssyncset.done $0x0  }
0xe7: {  	[sflag:s11] =	ssyncadd.s32 $0xFFFFE000  }
0xe8: {  	_ =	swait.ge [sflag:s12], $0x2000  }
0xe9: {  	[sflag:s12] =	ssyncset.done $0x0  }
0xea: {  	[sflag:s12] =	ssyncadd.s32 $0xFFFFE000  }
0xeb: {  	_ =	swait.ge [sflag:s13], $0x2000  }
0xec: {  	s6 =	rddreg [dreg:$0x15]  }
0xed: {  	s15 =	rddreg [dreg:$0x14];
	s6 =	sadd.s32 $0x1, s6  }
0xee: {  	p0 =	sne.s32 s6, s15  }
.Ltmp1:
0xef: {  	_ = 	snop;
	(pc) =	sbr.rel @p0 .LBB2_1-.Ltmp1, $3  }
0xf0: {  	_ =	sdelay $0x1  }
0xf1: {  	[sflag:s13] =	ssyncset.done $0x0  }
0xf2: {  	[sflag:s13] =	ssyncadd.s32 $0xFFFFE000  }
0xf3: {  	_ =	sfence.sel $0x180000  }
0xf4: {  	[bflag:$0x0] =	sbarrier.arrive $0xFFFF  }
0xf5: {  	_ =	strace $0x90000047  }
0xf6: {  	s0 =	stileid.u32;
	[bflag:$0x2] =	sbarrier.arrive $0xFFFF  }
0xf7: {  	p0 =	sne.s32 s0, $0x0;
	s0 =	rddreg [dreg:$0x2]  }
0xf8: {  	s0 =	sadd.s32 @!p0 $0x100000, s0  }
0xf9: {  	[sflag:s0] =	ssyncadd.tile.s32 @!p0 $0x1;
	_ =	shalt  }
.Lfunc_end2:
_tile_overlayer_lowered:
.L_overlay_start_2:
0xfa: {  	(tag) =	ssettag $0x2  }
0xfb: {  	s0 =	rddreg [dreg:$0x0];
	s2 =	stileid.u32  }
0xfc: {  	s1 =	rddreg [dreg:$0x1];
	p0 =	sne.s32 s2, $0x0  }
0xfd: {  	s3 =	rddreg [dreg:$0x2];
	[bflag:$0x3] =	sbarrier.arrive $0xFFFF;
	s2 =	simm.s32 @!p0 $0x1C11  }
0xfe: {  	[timem:s3], [sflag:s2] =	dma.local @!p0 [hbm:s0], s1  }
0xff: {  	s0 =	simm.s32 @!p0 $0x11  }
0x100: {  	_ =	swait.ge @!p0 [sflag:s0], s1  }
0x101: {  	s1 =	ssub.s32 @!p0 $0x0, s1;
	[sflag:s0] =	ssyncset.done @!p0 $0x0  }
0x102: {  	[sflag:s0] =	ssyncadd.s32 @!p0 s1  }
0x103: {  	[bflag:$0x3] =	sbarrier.arrive $0xFFFF  }
0x104: {  	_ =	shalt  }

// kernel: sparse-core-data-format-call.cloned.1.call-start
scs
called_computation_lowered:
.L_overlay_start_0:
0x0: {  	s2 =	sld [smem:$0x3FD9]  }
0x1: {  	s3 =	sld [smem:$0x3FFE];
	_ =	sdelay $0x1  }
0x2: {  	s1 =	srdreg.scid  }
0x3: {  	s0 =	sand.u32 $0x1, s1  }
0x4: {  	s18 =	sshll.u32 s0, $0xA;
	s2 =	sadd.s32 s3, s2  }
0x5: {  	s2 =	sadd.s32 s2, s18  }
0x6: {  	[smem:$0x3FC6] =	sst s2  }
0x7: {  	_ = 	snop  }
0x8: {  	s2 =	sld [smem:$0x3FD0];
	(tm) =	ssettm $0x1  }
0x9: {  	s19 =	sld [smem:$0x3FFB];
	_ =	sdelay $0x3  }
0xa: {  	_ =	strace s19  }
0xb: {  	s3 =	sld [smem:$0x3FFC];
	_ =	sdelay $0x3  }
0xc: {  	_ =	strace s3  }
0xd: {  	s3 =	sld [smem:$0x3FFD];
	_ =	sdelay $0x3  }
0xe: {  	_ =	strace s3  }
0xf: {  	_ =	strace $0x8FFFFFFF  }
0x10: {  	s20 =	sld [smem:$0x3FDB];
	_ =	sdelay $0x1  }
0x11: {  	s4 =	simm.s32 $_scs_section_size  }
0x12: {  	s5 =	simm.s32 $_size__tile_overlayer_lowered;
	s6 =	simm.s32 $_tile_overlayer_lowered  }
0x13: {  	s23 =	simm.s32 $0x1BFF;
	s22 =	sshll.u32 s6, $0x1;
	s3 =	sadd.s32 s4, s20  }
0x14: {  	s7 =	simm.s32 $0x0;
	s21 =	sshll.u32 s5, $0x1;
	s5 =	sadd.s32 s22, s3  }
0x15: {  	[timem:s7], [sflag:s23] =	dma.local [hbm:s5], s21  }
0x16: {  	_ =	swait.ge [sflag:s23], s21  }
0x17: {  	s4 =	ssub.s32 $0x0, s21;
	[sflag:s23] =	ssyncset.done $0x0  }
0x18: {  	[sflag:s23] =	ssyncadd.s32 s4;
	_ =	sdelay $0x1  }
0x19: {  	s24 =	simm.s32 $0x1B8B  }
0x1a: {  	_ =	swait.ge [sflag:s24], $0x1  }
0x1b: {  	[sflag:s24] =	ssyncset.done $0x0  }
0x1c: {  	s26 =	simm.s32 $0x1B8E;
	s25 =	sld [smem:$0x3FFE];
	[sflag:s24] =	ssyncadd.s32 $0xFFFFFFFF  }
0x1d: {  	s27 =	simm.s32 $execute0_lowered;
	[smem:$0x3FD2] =	sst s26  }
0x1e: {  	s5 =	sshll.u32 s27, $0x1;
	_ =	strace $0x80000049;
	[dreg:$0x1] =	wrdreg $0xFFFFFFFF  }
0x1f: {  	s28 =	simm.s32 $_size_execute0_lowered;
	s3 =	sadd.s32 s3, s5;
	[dreg:$0x0] =	wrdreg $0x0  }
0x20: {  	s5 =	sshll.u32 s28, $0x1;
	[dreg:$0x2] =	wrdreg s3  }
0x21: {  	[dreg:$0x3] =	wrdreg s5  }
0x22: {  	[dreg:$0x4] =	wrdreg $0xC0  }
0x23: {  	_ =	task [dreg:s7], $0x5FFFF  }
0x24: {  	[dreg:$0x1] =	wrdreg $0xFFFFFFFF  }
0x25: {  	[dreg:$0x0] =	wrdreg $0x60  }
0x26: {  	[dreg:$0x2] =	wrdreg s25  }
0x27: {  	[dreg:$0x3] =	wrdreg s2  }
0x28: {  	[dreg:$0x4] =	wrdreg $0x9  }
0x29: {  	_ =	task.clear_ibuf [dreg:s7], $0x5FFFF;
	_ =	strace $0x90000049  }
0x2a: {  	s29 =	simm.s32 $0x9;
	_ =	strace $0x8000004B  }
0x2b: {  	_ =	swait.ge [sflag:s29], $0x1  }
0x2c: {  	[sflag:s29] =	ssyncadd.s32 $0xFFFFFFFF  }
0x2d: {  	_ =	strace $0x9000004B  }
0x2e: {  	_ =	sfence  }
0x2f: {  	s30 =	sld [smem:$0x0];
	_ =	sdelay $0x2  }
0x30: {  	s31 =	sshll.u32 s1, $0xD;
	s1 =	sshrl.u32 s1, $0x2  }
0x31: {  	s3 =	sand.u32 $0x4000, s31;
	s1 =	sadd.s32 s1, s30  }
0x32: {  	s0 =	sor.u32 s3, s0;
	s1 =	sshll.u32 s1, $0x11  }
0x33: {  	s0 =	sor.u32 s1, s0  }
0x34: {  	s0 =	sadd.s32 $0x8F2B, s0  }
0x35: {  	[sflag:s0] =	ssyncadd.remote.s32 $0x1  }
0x36: {  	_ =	sfence.sel $0xFFFF  }
0x37: {  	[dreg:$0x0] =	wrdreg $0xFFFFFFFF;
	(pc) =	sbr.abs _section_cstart, $3  }
0x38: {  	[dreg:$0x1] =	wrdreg $0xFFFFFFFF  }
0x39: {  	_ =	task.clear_ibuf [dreg:s7], $0x2FFFF;
	_ =	strace $0x9FFFFFFF  }
0x3a: {  	(tm) =	ssettm $0x7FFFFFFF  }
0x3b: {  	_ =	shalt  }
tec
execute0_lowered:
.L_overlay_start_1:
0x0: {  	(tag) =	ssettag $0x1  }
0x1: {  	s0 =	srdreg.scid  }
0x2: {  	s1 =	sshll.u32 s0, $0x4  }
0x3: {  	s0 =	stileid.u32;
	s1 =	sand.u32 $0x10, s1  }
0x4: {  	s1 =	sor.u32 s0, s1  }
0x5: {  	s6 =	rddreg [dreg:$0x0];
	s4 =	simm.s32 $0x1;
	s2 =	sshll.u32 s1, $0x7  }
0x6: {  	s7 =	simm.s32 $0x2;
	s12 =	simm.s32 $0x0;
	s1 =	ssub.s32 $0x1000, s2  }
0x7: {  	s8 =	simm.s32 $0x8000;
	s13 =	simm.s32 $0x0;
	s3 =	sand.u32 $0xF80, s1  }
0x8: {  	s9 =	simm.s32 $0x0;
	s5 =	sshrl.u32 s1, $0xC;
	p0 =	sne.s32 s3, $0x0  }
.Ltmp0:
0x9: {  	s1 =	rddreg [dreg:$0x2];
	s4 =	simm.s32 @!p0 $0x0;
	(pc) =	sbr.rel .LBB1_1-.Ltmp0, $4  }
0xa: {  	s11 =	simm.s32 $0x0;
	s3 =	rddreg [dreg:$0x1];
	s5 =	sadd.s32 s4, s5  }
0xb: {  	_ =	strace $0x8000004A;
	s4 =	simm.s32 $0x1;
	s5 =	smul.u32 $0xC8, s5  }
0xc: {  	s6 =	sadd.s32 $0xA00, s6;
	s10 =	smov.u32 s2;
	[sflag:s4] =	ssyncpa.u1 $0x0  }
0xd: {  	p0 =	por $0x0, $0x0;
	[sflag:s7] =	ssyncpa.u1 $0x0;
	s7 =	sor.u32 $0x1, s5  }
.LBB1_4:
0xe: {  	s16 =	sshll.u32 s13, $0x3;
	s17 =	sand.u32 $0x78, s13  }
0xf: {  	s30 =	sand.u32 $0x7E00, s13;
	s12 =	sshll.u32 s12, $0xF;
	s16 =	sand.u32 $0xC00, s16  }
0x10: {  	[tilespmem:s15+$0x810 ss:$0x81] =	vst.msk $0xffff, v2;
	s31 =	sand.u32 $0x7, s13;
	s16 =	sor.u32 s17, s16;
	s17 =	sadd.s32 s3, s30  }
0x11: {  	[tilespmem:s15+$0x1020 ss:$0x81] =	vst.msk $0xffff, v0;
	s13 =	sshll.u32 s31, $0x12;
	s12 =	sadd.s32 s12, s17;
	s16 =	sshrl.u32 s16, $0x3  }
0x12: {  	[tilespmem:s15+$0x0 ss:$0x81] =	vst.msk $0xffff, v1;
	s13 =	sor.u32 $0x400, s13;
	s12 =	sadd.s32 s16, s12  }
0x13: {  	[hbm4b:s12+s13] =	stream.strided.scatter [tilespmem:s14], [sflag:$0x2], $0x2000, s8, s13, $0x20;
	[tilespmem:$0x8080] =	vst v63  }
.LBB1_5:
0x14: {  	s14 =	sadd.s32 $0x1, s9  }
0x15: {  	s12 =	sadd.s32 $0x1000, s10;
	s16 =	smov.u32 s10;
	p2 =	sgt.s32 s14, $0xC7  }
0x16: {  	s16 =	smov.u32 @p2 s12  }
0x17: {  	s14 =	simm.s32 @p2 $0x0;
	p2 =	sgt.s32 s16, $0xFFF  }
0x18: {  	s16 =	smov.u32 @p2 s2;
	p2 =	sne.s32 s11, s7  }
.Ltmp1:
0x19: {  	p1 =	slt.u32 s11, $0x2;
	(pc) =	sbr.rel @!p2 .LBB1_6-.Ltmp1, $4  }
0x1a: {  	s15 =	simm.s32 @!p1 $0x2  }
0x1b: {  	s13 =	smov.u32 s10;
	p0 =	por !p0, !p0;
	_ =	swait.ge @!p1 [sflag:s15], $0x2000  }
0x1c: {  	s12 =	smov.u32 s9;
	[sflag:s15] =	ssyncset.done @!p1 $0x0;
	s9 =	smov.u32 s14  }
0x1d: {  	s11 =	sadd.s32 $0x1, s11;
	[sflag:s15] =	ssyncadd.s32 @!p1 $0xFFFFE000;
	s10 =	smov.u32 s16  }
.LBB1_1:
0x1e: {  	p1 =	sge.u32 s11, s5  }
0x1f: {  	s14 =	sand.u32 @!p1 $0x1FFFFFF, s9  }
0x20: {  	s15 =	smulhi.u32 @!p1 $0x147AE15, s14;
	_ =	sdelay $0x1  }
0x21: {  	s15 =	smul.u32 @!p1 $0xC8, s15  }
0x22: {  	s16 =	sxor.u32 @!p1 $0xFFFFFFFF, s11;
	s17 =	smul.u32 @!p1 $0xC80, s10  }
0x23: {  	s31 =	sadd.s32 $0xFFFFFFFF, s11;
	s16 =	sshll.u32 @!p1 s16, $0xD;
	s14 =	ssub.s32 @!p1 s14, s15  }
0x24: {  	s15 =	sand.u32 @!p1 $0x2000, s16;
	s16 =	sadd.s32 @!p1 s6, s17;
	s14 =	sshll.u32 @!p1 s14, $0x4  }
0x25: {  	s17 =	simm.s32 @!p1 $0x6400;
	s14 =	sadd.s32 @!p1 s14, s16;
	s16 =	simm.s32 @!p1 $0x40  }
0x26: {  	[tilespmem:s15], [sflag:$0x1] =	stream.strided.gather @!p1 [hbm4b:s14+s16], $0x2000, s17, s16, $0x38;
	[tilespmem:$0x8080] =	vst v63  }
0x27: {  	p1 =	sge.u32 s31, s5  }
.Ltmp2:
0x28: {  	_ = 	snop;
	(pc) =	sbr.rel @p1 .LBB1_5-.Ltmp2, $1  }
0x29: {  	_ =	sdelay $0x3  }
0x2a: {  	s14 =	simm.s32 $0x1  }
0x2b: {  	_ =	swait.ge [sflag:s4], $0x2000;
	s14 =	simm.s32 @!p0 $0x0  }
0x2c: {  	[sflag:s4] =	ssyncset.done $0x0;
	s15 =	sshll.u32 s14, $0xD  }
0x2d: {  	[sflag:s4] =	ssyncadd.s32 $0xFFFFE000;
	s18 =	sor.u32 $0x20, s15  }
0x2e: {  	s14 =	smul.u32 $0x8100, s14;
	v3 =	vld [tilespmem:s18+$0x10]  }
0x2f: {  	s30 =	sand.u32 $0x1, s11;
	v2 =	vld [tilespmem:s18+$0xFFFFFFF0]  }
0x30: {  	s15 =	smul.u32 $0x8100, s30;
	s14 =	sshrl.u32 s14, $0x2;
	v0 =	vld [tilespmem:s18+$0x0]  }
0x31: {  	v1 =	vld [tilespmem:s18+$0xFFFFFFE0];
	s16 =	sor.u32 $0x4000, s14  }
0x32: {  	s31 =	sshrl.u32 s15, $0x2;
	s15 =	sadd.s32 $0x0, s16  }
0x33: {  	s17 =	simm.s32 $0x4;
	s18 =	sadd.s32 $0x40, s18;
	s14 =	sor.u32 $0x4000, s31;
	[tilespmem:s15+$0x1830 ss:$0x81] =	vst.msk $0xffff, v3  }
.LBB1_3:
0x34: {  	v3 =	vld [tilespmem:s18+$0x10];
	p1 =	sne.s32 s17, $0x1FC;
	[tilespmem:s15+$0x810 ss:$0x81] =	vst.msk $0xffff, v2;
	s19 =	smov.u32 s17;
	s17 =	sadd.s32 $0x4, s17  }
.Ltmp3:
0x35: {  	v2 =	vld [tilespmem:s18+$0xFFFFFFF0];
	[tilespmem:s15+$0x1020 ss:$0x81] =	vst.msk $0xffff, v0;
	(pc) =	sbr.rel @p1 .LBB1_3-.Ltmp3, $4  }
0x36: {  	v0 =	vld [tilespmem:s18+$0x0];
	[tilespmem:s15+$0x0 ss:$0x81] =	vst.msk $0xffff, v1  }
0x37: {  	s15 =	sshra.s32 s19, $0x2;
	v1 =	vld [tilespmem:s18+$0xFFFFFFE0]  }
0x38: {  	s15 =	sadd.s32 s15, s16  }
0x39: {  	s18 =	sadd.s32 $0x40, s18;
	[tilespmem:s15+$0x1830 ss:$0x81] =	vst.msk $0xffff, v3  }
.Ltmp4:
0x3a: {  	_ = 	snop;
	(pc) =	sbr.rel .LBB1_4-.Ltmp4, $1  }
0x3b: {  	_ =	sdelay $0x3  }
.LBB1_6:
0x3c: {  	_ =	sfence.sel $0x180000  }
0x3d: {  	s2 =	simm.s32 $0x1;
	[bflag:$0x0] =	sbarrier.arrive $0xFFFF  }
0x3e: {  	s31 =	simm.s32 $0x2;
	[sflag:s2] =	ssyncpa.u1 $0x1  }
0x3f: {  	[sflag:s31] =	ssyncpa.u1 $0x1  }
0x40: {  	p0 =	sne.s32 s0, $0x0;
	_ =	strace $0x9000004A  }
0x41: {  	s0 =	sadd.s32 @!p0 $0x100000, s1;
	[bflag:$0x2] =	sbarrier.arrive $0xFFFF  }
0x42: {  	[sflag:s0] =	ssyncadd.tile.s32 @!p0 $0x1;
	_ =	shalt  }
.Lfunc_end1:
_tile_overlayer_lowered:
.L_overlay_start_2:
0x43: {  	(tag) =	ssettag $0x2  }
0x44: {  	s0 =	rddreg [dreg:$0x0];
	s2 =	stileid.u32  }
0x45: {  	s1 =	rddreg [dreg:$0x1];
	p0 =	sne.s32 s2, $0x0  }
0x46: {  	s3 =	rddreg [dreg:$0x2];
	[bflag:$0x3] =	sbarrier.arrive $0xFFFF;
	s2 =	simm.s32 @!p0 $0x1C01  }
0x47: {  	[timem:s3], [sflag:s2] =	dma.local @!p0 [hbm:s0], s1  }
0x48: {  	s0 =	simm.s32 @!p0 $0x1  }
0x49: {  	_ =	swait.ge @!p0 [sflag:s0], s1  }
0x4a: {  	s1 =	ssub.s32 @!p0 $0x0, s1;
	[sflag:s0] =	ssyncset.done @!p0 $0x0  }
0x4b: {  	[sflag:s0] =	ssyncadd.s32 @!p0 s1  }
0x4c: {  	[bflag:$0x3] =	sbarrier.arrive $0xFFFF  }
0x4d: {  	_ =	shalt  }

</sc_bundles>
